<compile_context>
chip_gen: v7x
topology: tpu7x:2x2x1
jax: 0.10.2.dev20260603
libtpu: 0.0.44.dev20260713+nightly
codegen_flags: <defaults>
</compile_context>

<pallas_src>
import functools

import jax
import jax.numpy as jnp
from jax import lax
from jax.experimental import pallas as pl
from jax.experimental.pallas import tpu as pltpu
from jax.experimental.pallas import tpu_sc as plsc

_D = 256
_K = 8192
_TB = 768
_KC = 256
_NTOK = 16 * 576

_NC = 2
_NS = 16
_NW = _NC * _NS
_BPW = _NTOK // _NW


def _snap_ids_kernel(x_ref, cbt_ref, x2_ref, c2_ref, ids_ref):
    x = x_ref[...]
    x2 = x2_ref[...]

    mq = jnp.full((_TB, _KC), jnp.inf, jnp.float32)
    mj = jnp.zeros((_TB, _KC), jnp.float32)
    for j in range(_K // _KC):
        xc = jnp.dot(x, cbt_ref[:, pl.ds(j * _KC, _KC)],
                     preferred_element_type=jnp.float32)
        c2 = c2_ref[:, pl.ds(j * _KC, _KC)]
        q = jnp.sqrt(jnp.maximum(x2 + c2 - 2.0 * xc, 0.0))
        better = q < mq
        mj = jnp.where(better, jnp.float32(j), mj)
        mq = jnp.where(better, q, mq)

    lane = lax.broadcasted_iota(jnp.int32, (_TB, _KC), 1).astype(jnp.float32)
    gidx = mj * jnp.float32(_KC) + lane
    best = jnp.min(mq, axis=1, keepdims=True)
    big = jnp.float32(2.0 * _K)
    idxf = jnp.min(jnp.where(mq == best, gidx, big), axis=1)
    ids_ref[0, 0, :] = idxf.astype(jnp.int32)


def _compute_ids(x2d, cbt, x2, c2):
    nb = x2d.shape[0] // _TB
    ids = pl.pallas_call(
        _snap_ids_kernel,
        grid=(nb,),
        in_specs=[
            pl.BlockSpec((_TB, _D), lambda i: (i, 0)),
            pl.BlockSpec((_D, _K), lambda i: (0, 0)),
            pl.BlockSpec((_TB, 1), lambda i: (i, 0)),
            pl.BlockSpec((1, _K), lambda i: (0, 0)),
        ],
        out_specs=pl.BlockSpec((1, 1, _TB), lambda i: (i, 0, 0)),
        out_shape=jax.ShapeDtypeStruct((nb, 1, _TB), jnp.int32),
    )(x2d, cbt, x2, c2)
    return ids.reshape(-1)


def _sc_gather(codebook, ids):
    mesh = plsc.VectorSubcoreMesh(core_axis_name="c", subcore_axis_name="s")

    @functools.partial(
        pl.kernel,
        mesh=mesh,
        out_type=jax.ShapeDtypeStruct((_NTOK, _D), jnp.float32),
        scratch_types=[
            pltpu.VMEM((_BPW,), jnp.int32),
            pltpu.VMEM((_BPW, _D), jnp.float32),
            pltpu.SemaphoreType.DMA,
        ],
    )
    def gather(table_hbm, idx_hbm, out_hbm, idx_v, rows_v, sem):
        wid = lax.axis_index("s") * _NC + lax.axis_index("c")
        base = wid * _BPW
        pltpu.sync_copy(idx_hbm.at[pl.ds(base, _BPW)], idx_v)
        pltpu.async_copy(table_hbm.at[idx_v], rows_v, sem).wait()
        pltpu.sync_copy(rows_v, out_hbm.at[pl.ds(base, _BPW)])

    return gather(codebook, ids)


def kernel(x, codebook):
    b, s, d = x.shape
    x2d = x.reshape(b * s, d)
    cbt = codebook.T
    x2 = jnp.sum(x * x, axis=-1, keepdims=True).reshape(b * s, 1)
    c2 = jnp.sum(codebook * codebook, axis=-1).reshape(1, _K)
    ids_flat = _compute_ids(x2d, cbt, x2, c2)
    out_flat = _sc_gather(codebook, ids_flat)
    return out_flat.reshape(b, s, d), ids_flat.reshape(b, s, 1)

# --- scband reference (transcript-rebuilt; emitter-appended) ---
"""Pipeline reference for scband-vqcodebook-layer-44693429682348 (READ-ONLY COPY).

The authoritative reference and input builder live on the scoring server;
editing this copy changes nothing except your own understanding.
"""

import jax, jax.numpy as jnp
import numpy as np

KCODES = 1

def setup_inputs(seed: int = 0) -> dict:
    key = jax.random.key(seed)
    k1, k2 = jax.random.split(key)
    x = jax.random.normal(k1, (16, 576, 256), dtype=jnp.float32)
    codebook = jax.random.normal(k2, (8192, 256), dtype=jnp.float32) * 0.02
    return {"x": x, "codebook": codebook}

def reference(x, codebook):
    # EuclideanSnapFunction.forward with default hook_kwargs
    # (keep_k_codes=True, disable_codes=[], disable_topk=0, disable_for_tkns=[]):
    # logits = -cdist(x, codebook, p=2); topk(kcodes); embedding; sum/kcodes
    x2 = jnp.sum(x * x, axis=-1, keepdims=True)            # [B, S, 1]
    c2 = jnp.sum(codebook * codebook, axis=-1)             # [K]
    xc = jnp.einsum('bsd,kd->bsk', x, codebook)            # [B, S, K]
    d2 = jnp.clip(x2 + c2[None, None, :] - 2.0 * xc, 0.0)
    logits = -jnp.sqrt(d2)
    _, codebook_ids = jax.lax.top_k(logits, KCODES)        # [B, S, kcodes]
    emb = jnp.take(codebook, codebook_ids, axis=0)         # [B, S, kcodes, d]
    outputs = emb.sum(axis=-2) / KCODES                    # [B, S, d]
    return outputs, codebook_ids

if __name__ == "__main__":
    import jax
    _d = setup_inputs()
    print(jax.jit(kernel)(*tuple(_d.values())))

</pallas_src>

<mosaic_0001>
#map = affine_map<(d0, d1) -> (0, 0)>
#map1 = affine_map<(d0, d1) -> (0)>
module attributes {stable_mosaic.version = 14 : i64} {
  func.func @gather(%arg0: i32, %arg1: i32, %arg2: memref<8192x256xf32, #tpu.memory_space<hbm>>, %arg3: memref<9216xi32, #tpu.memory_space<hbm>>, %arg4: memref<9216x256xf32, #tpu.memory_space<hbm>>, %arg5: memref<288xi32, #tpu.memory_space<vmem>>, %arg6: memref<288x256xf32, #tpu.memory_space<vmem>>, %arg7: memref<!tpu.dma_semaphore, #tpu.memory_space<semaphore_mem>>) attributes {dimension_semantics = [#tpu.dimension_semantics<core_parallel>, #tpu.dimension_semantics<subcore_parallel>], iteration_bounds = array<i64: 2, 16>, scalar_prefetch = 0 : i64, scratch_operands = 3 : i64, tpu.core_type = #tpu.core_type<sc_vector_subcore>, window_params = [{transform_indices = #map}, {transform_indices = #map1}, {transform_indices = #map}]} {
    %mul3A = arith.constant 2 : i32
    %mul3A_0 = arith.muli %arg1, %mul3A : i32
    %add3A = arith.addi %mul3A_0, %arg0 : i32
    %mul3A_1 = arith.constant 288 : i32
    %mul3A_2 = arith.muli %add3A, %mul3A_1 : i32
    "tpu.region"() ({
      %run_scoped3A = tpu.sem_alloc : memref<!tpu.dma_semaphore, #tpu.memory_space<semaphore_mem>>
      %dma_start3A_7 = tpu.memref_slice %arg3[%mul3A_2] : memref<9216xi32, #tpu.memory_space<hbm>> -> memref<288xi32, #tpu.memory_space<hbm>>
      %dma_start3A_8 = tpu.memref_slice %arg3[%mul3A_2] : memref<9216xi32, #tpu.memory_space<hbm>> -> memref<288xi32, #tpu.memory_space<hbm>>
      tpu.enqueue_dma source(%dma_start3A_8 : memref<288xi32, #tpu.memory_space<hbm>>) target(%arg5 : memref<288xi32, #tpu.memory_space<vmem>>) target_semaphore(%run_scoped3A : memref<!tpu.dma_semaphore, #tpu.memory_space<semaphore_mem>>)
      %dma_wait3A_9 = tpu.memref_slice %arg3[%mul3A_2] : memref<9216xi32, #tpu.memory_space<hbm>> -> memref<288xi32, #tpu.memory_space<hbm>>
      %dma_wait3A_10 = tpu.memref_slice %arg3[%mul3A_2] : memref<9216xi32, #tpu.memory_space<hbm>> -> memref<288xi32, #tpu.memory_space<hbm>>
      tpu.wait_dma2 semaphore(%run_scoped3A : memref<!tpu.dma_semaphore, #tpu.memory_space<semaphore_mem>>) src(%dma_wait3A_10 : memref<288xi32, #tpu.memory_space<hbm>>) dst(%arg5 : memref<288xi32, #tpu.memory_space<vmem>>)
      tpu.yield
    }) : () -> ()
    %dma_start3A = arith.constant 0 : i32
    %dma_start3A_3 = arith.constant 0 : i32
    %dma_start3A_4 = tpu.memref_slice %arg2[%dma_start3A, %dma_start3A_3] : memref<8192x256xf32, #tpu.memory_space<hbm>> -> memref<8192x256xf32, #tpu.memory_space<hbm>>
    tpu.enqueue_indirect_dma source(%dma_start3A_4 : memref<8192x256xf32, #tpu.memory_space<hbm>>) target(%arg6 : memref<288x256xf32, #tpu.memory_space<vmem>>) offsets(%arg5 : memref<288xi32, #tpu.memory_space<vmem>>) semaphore(%arg7 : memref<!tpu.dma_semaphore, #tpu.memory_space<semaphore_mem>>)
    %dma_wait3A = arith.constant 0 : i32
    %dma_wait3A_5 = arith.constant 0 : i32
    %dma_wait3A_6 = tpu.memref_slice %arg2[%dma_wait3A, %dma_wait3A_5] : memref<8192x256xf32, #tpu.memory_space<hbm>> -> memref<8192x256xf32, #tpu.memory_space<hbm>>
    tpu.wait_indirect_dma semaphore(%arg7 : memref<!tpu.dma_semaphore, #tpu.memory_space<semaphore_mem>>) src(%dma_wait3A_6 : memref<8192x256xf32, #tpu.memory_space<hbm>>) dst(%arg6 : memref<288x256xf32, #tpu.memory_space<vmem>>)
    "tpu.region"() ({
      %run_scoped3A = tpu.sem_alloc : memref<!tpu.dma_semaphore, #tpu.memory_space<semaphore_mem>>
      %dma_start3A_7 = arith.constant 0 : i32
      %dma_start3A_8 = tpu.memref_slice %arg4[%mul3A_2, %dma_start3A_7] : memref<9216x256xf32, #tpu.memory_space<hbm>> -> memref<288x256xf32, #tpu.memory_space<hbm>>
      %dma_start3A_9 = arith.constant 0 : i32
      %dma_start3A_10 = tpu.memref_slice %arg4[%mul3A_2, %dma_start3A_9] : memref<9216x256xf32, #tpu.memory_space<hbm>> -> memref<288x256xf32, #tpu.memory_space<hbm>>
      tpu.enqueue_dma source(%arg6 : memref<288x256xf32, #tpu.memory_space<vmem>>) target(%dma_start3A_10 : memref<288x256xf32, #tpu.memory_space<hbm>>) target_semaphore(%run_scoped3A : memref<!tpu.dma_semaphore, #tpu.memory_space<semaphore_mem>>)
      %dma_wait3A_11 = arith.constant 0 : i32
      %dma_wait3A_12 = tpu.memref_slice %arg4[%mul3A_2, %dma_wait3A_11] : memref<9216x256xf32, #tpu.memory_space<hbm>> -> memref<288x256xf32, #tpu.memory_space<hbm>>
      %dma_wait3A_13 = arith.constant 0 : i32
      %dma_wait3A_14 = tpu.memref_slice %arg4[%mul3A_2, %dma_wait3A_13] : memref<9216x256xf32, #tpu.memory_space<hbm>> -> memref<288x256xf32, #tpu.memory_space<hbm>>
      tpu.wait_dma2 semaphore(%run_scoped3A : memref<!tpu.dma_semaphore, #tpu.memory_space<semaphore_mem>>) src(%arg6 : memref<288x256xf32, #tpu.memory_space<vmem>>) dst(%dma_wait3A_14 : memref<288x256xf32, #tpu.memory_space<hbm>>)
      tpu.yield
    }) : () -> ()
    return
  }
}

module attributes {stable_mosaic.version = 14 : i64} {
  func.func @_snap_ids_kernel(%arg0: i32, %arg1: memref<768x256xf32, #tpu.memory_space<vmem>>, %arg2: memref<256x8192xf32, #tpu.memory_space<vmem>>, %arg3: memref<768x1xf32, #tpu.memory_space<vmem>>, %arg4: memref<1x8192xf32, #tpu.memory_space<vmem>>, %arg5: memref<1x1x768xi32, #tpu.memory_space<vmem>>) attributes {dimension_semantics = [#tpu.dimension_semantics<arbitrary>], iteration_bounds = array<i64: 12>, scalar_prefetch = 0 : i64, scratch_operands = 0 : i64, tpu.core_type = #tpu.core_type<tc>, window_params = [{transform_indices = @transform_0, window_bounds = array<i64: 768, 256>}, {pipeline_mode = #tpu.pipeline_mode<synchronous>, transform_indices = @transform_1, window_bounds = array<i64: 256, 8192>}, {transform_indices = @transform_2, window_bounds = array<i64: 768, 1>}, {pipeline_mode = #tpu.pipeline_mode<synchronous>, transform_indices = @transform_3, window_bounds = array<i64: 1, 8192>}, {transform_indices = @transform_4, window_bounds = array<i64: 1, 1, 768>}]} {
    %get3A = arith.constant 0 : index
    %get3A_0 = arith.constant 0 : index
    %get3A_1 = vector.load %arg1[%get3A, %get3A_0] : memref<768x256xf32, #tpu.memory_space<vmem>>, vector<768x256xf32>
    %get3A_2 = arith.constant 0 : index
    %get3A_3 = arith.constant 0 : index
    %get3A_4 = vector.load %arg3[%get3A_2, %get3A_3] : memref<768x1xf32, #tpu.memory_space<vmem>>, vector<768x1xf32>
    %broadcast_in_dim3A = arith.constant 0x7F800000 : f32
    %broadcast_in_dim3A_5 = vector.broadcast %broadcast_in_dim3A : f32 to vector<768x256xf32>
    %broadcast_in_dim3A_6 = arith.constant 0.000000e+00 : f32
    %broadcast_in_dim3A_7 = vector.broadcast %broadcast_in_dim3A_6 : f32 to vector<768x256xf32>
    %get3A_8 = arith.constant 0 : index
    %get3A_9 = arith.constant 0 : index
    %get3A_10 = vector.load %arg2[%get3A_8, %get3A_9] : memref<256x8192xf32, #tpu.memory_space<vmem>>, vector<256x256xf32>
    %dot_general3A = arith.constant dense<0.000000e+00> : vector<768x256xf32>
    %dot_general3A_11 = tpu.matmul %get3A_1, %get3A_10, %dot_general3A {dimension_numbers = #tpu.dot_dimension_numbers<[1], [0], [0], [1], [0, 0, 1, 1], [], []>, transpose_lhs_hint = false} : vector<768x256xf32>, vector<256x256xf32>, vector<768x256xf32> -> vector<768x256xf32>
    %get3A_12 = arith.constant 0 : index
    %get3A_13 = arith.constant 0 : index
    %get3A_14 = vector.load %arg4[%get3A_12, %get3A_13] : memref<1x8192xf32, #tpu.memory_space<vmem>>, vector<1x256xf32>
    %add3A = vector.broadcast %get3A_4 : vector<768x1xf32> to vector<768x256xf32>
    %add3A_15 = vector.broadcast %get3A_14 : vector<1x256xf32> to vector<768x256xf32>
    %add3A_16 = arith.addf %add3A, %add3A_15 : vector<768x256xf32>
    %mul3A = arith.constant 2.000000e+00 : f32
    %mul3A_17 = vector.broadcast %mul3A : f32 to vector<768x256xf32>
    %mul3A_18 = arith.mulf %mul3A_17, %dot_general3A_11 : vector<768x256xf32>
    %sub3A = arith.subf %add3A_16, %mul3A_18 : vector<768x256xf32>
    %max3A = arith.constant 0.000000e+00 : f32
    %max3A_19 = vector.broadcast %max3A : f32 to vector<768x256xf32>
    %max3A_20 = arith.maximumf %sub3A, %max3A_19 : vector<768x256xf32>
    %sqrt3A = math.sqrt %max3A_20 : vector<768x256xf32>
    %lt3A = arith.cmpf olt, %sqrt3A, %broadcast_in_dim3A_5 : vector<768x256xf32>
    %jit3A = arith.constant 0.000000e+00 : f32
    %broadcast_in_dim3A_21 = vector.broadcast %jit3A : f32 to vector<768x256xf32>
    %select_n3A = arith.select %lt3A, %broadcast_in_dim3A_21, %broadcast_in_dim3A_7 : vector<768x256xi1>, vector<768x256xf32>
    %select_n3A_22 = arith.select %lt3A, %sqrt3A, %broadcast_in_dim3A_5 : vector<768x256xi1>, vector<768x256xf32>
    %get3A_23 = arith.constant 0 : index
    %get3A_24 = arith.constant 256 : index
    %get3A_25 = vector.load %arg2[%get3A_23, %get3A_24] : memref<256x8192xf32, #tpu.memory_space<vmem>>, vector<256x256xf32>
    %dot_general3A_26 = arith.constant dense<0.000000e+00> : vector<768x256xf32>
    %dot_general3A_27 = tpu.matmul %get3A_1, %get3A_25, %dot_general3A_26 {dimension_numbers = #tpu.dot_dimension_numbers<[1], [0], [0], [1], [0, 0, 1, 1], [], []>, transpose_lhs_hint = false} : vector<768x256xf32>, vector<256x256xf32>, vector<768x256xf32> -> vector<768x256xf32>
    %get3A_28 = arith.constant 0 : index
    %get3A_29 = arith.constant 256 : index
    %get3A_30 = vector.load %arg4[%get3A_28, %get3A_29] : memref<1x8192xf32, #tpu.memory_space<vmem>>, vector<1x256xf32>
    %add3A_31 = vector.broadcast %get3A_4 : vector<768x1xf32> to vector<768x256xf32>
    %add3A_32 = vector.broadcast %get3A_30 : vector<1x256xf32> to vector<768x256xf32>
    %add3A_33 = arith.addf %add3A_31, %add3A_32 : vector<768x256xf32>
    %mul3A_34 = arith.constant 2.000000e+00 : f32
    %mul3A_35 = vector.broadcast %mul3A_34 : f32 to vector<768x256xf32>
    %mul3A_36 = arith.mulf %mul3A_35, %dot_general3A_27 : vector<768x256xf32>
    %sub3A_37 = arith.subf %add3A_33, %mul3A_36 : vector<768x256xf32>
    %max3A_38 = arith.constant 0.000000e+00 : f32
    %max3A_39 = vector.broadcast %max3A_38 : f32 to vector<768x256xf32>
    %max3A_40 = arith.maximumf %sub3A_37, %max3A_39 : vector<768x256xf32>
    %sqrt3A_41 = math.sqrt %max3A_40 : vector<768x256xf32>
    %lt3A_42 = arith.cmpf olt, %sqrt3A_41, %select_n3A_22 : vector<768x256xf32>
    %jit3A_43 = arith.constant 1.000000e+00 : f32
    %broadcast_in_dim3A_44 = vector.broadcast %jit3A_43 : f32 to vector<768x256xf32>
    %select_n3A_45 = arith.select %lt3A_42, %broadcast_in_dim3A_44, %select_n3A : vector<768x256xi1>, vector<768x256xf32>
    %select_n3A_46 = arith.select %lt3A_42, %sqrt3A_41, %select_n3A_22 : vector<768x256xi1>, vector<768x256xf32>
    %get3A_47 = arith.constant 0 : index
    %get3A_48 = arith.constant 512 : index
    %get3A_49 = vector.load %arg2[%get3A_47, %get3A_48] : memref<256x8192xf32, #tpu.memory_space<vmem>>, vector<256x256xf32>
    %dot_general3A_50 = arith.constant dense<0.000000e+00> : vector<768x256xf32>
    %dot_general3A_51 = tpu.matmul %get3A_1, %get3A_49, %dot_general3A_50 {dimension_numbers = #tpu.dot_dimension_numbers<[1], [0], [0], [1], [0, 0, 1, 1], [], []>, transpose_lhs_hint = false} : vector<768x256xf32>, vector<256x256xf32>, vector<768x256xf32> -> vector<768x256xf32>
    %get3A_52 = arith.constant 0 : index
    %get3A_53 = arith.constant 512 : index
    %get3A_54 = vector.load %arg4[%get3A_52, %get3A_53] : memref<1x8192xf32, #tpu.memory_space<vmem>>, vector<1x256xf32>
    %add3A_55 = vector.broadcast %get3A_4 : vector<768x1xf32> to vector<768x256xf32>
    %add3A_56 = vector.broadcast %get3A_54 : vector<1x256xf32> to vector<768x256xf32>
    %add3A_57 = arith.addf %add3A_55, %add3A_56 : vector<768x256xf32>
    %mul3A_58 = arith.constant 2.000000e+00 : f32
    %mul3A_59 = vector.broadcast %mul3A_58 : f32 to vector<768x256xf32>
    %mul3A_60 = arith.mulf %mul3A_59, %dot_general3A_51 : vector<768x256xf32>
    %sub3A_61 = arith.subf %add3A_57, %mul3A_60 : vector<768x256xf32>
    %max3A_62 = arith.constant 0.000000e+00 : f32
    %max3A_63 = vector.broadcast %max3A_62 : f32 to vector<768x256xf32>
    %max3A_64 = arith.maximumf %sub3A_61, %max3A_63 : vector<768x256xf32>
    %sqrt3A_65 = math.sqrt %max3A_64 : vector<768x256xf32>
    %lt3A_66 = arith.cmpf olt, %sqrt3A_65, %select_n3A_46 : vector<768x256xf32>
    %jit3A_67 = arith.constant 2.000000e+00 : f32
    %broadcast_in_dim3A_68 = vector.broadcast %jit3A_67 : f32 to vector<768x256xf32>
    %select_n3A_69 = arith.select %lt3A_66, %broadcast_in_dim3A_68, %select_n3A_45 : vector<768x256xi1>, vector<768x256xf32>
    %select_n3A_70 = arith.select %lt3A_66, %sqrt3A_65, %select_n3A_46 : vector<768x256xi1>, vector<768x256xf32>
    %get3A_71 = arith.constant 0 : index
    %get3A_72 = arith.constant 768 : index
    %get3A_73 = vector.load %arg2[%get3A_71, %get3A_72] : memref<256x8192xf32, #tpu.memory_space<vmem>>, vector<256x256xf32>
    %dot_general3A_74 = arith.constant dense<0.000000e+00> : vector<768x256xf32>
    %dot_general3A_75 = tpu.matmul %get3A_1, %get3A_73, %dot_general3A_74 {dimension_numbers = #tpu.dot_dimension_numbers<[1], [0], [0], [1], [0, 0, 1, 1], [], []>, transpose_lhs_hint = false} : vector<768x256xf32>, vector<256x256xf32>, vector<768x256xf32> -> vector<768x256xf32>
    %get3A_76 = arith.constant 0 : index
    %get3A_77 = arith.constant 768 : index
    %get3A_78 = vector.load %arg4[%get3A_76, %get3A_77] : memref<1x8192xf32, #tpu.memory_space<vmem>>, vector<1x256xf32>
    %add3A_79 = vector.broadcast %get3A_4 : vector<768x1xf32> to vector<768x256xf32>
    %add3A_80 = vector.broadcast %get3A_78 : vector<1x256xf32> to vector<768x256xf32>
    %add3A_81 = arith.addf %add3A_79, %add3A_80 : vector<768x256xf32>
    %mul3A_82 = arith.constant 2.000000e+00 : f32
    %mul3A_83 = vector.broadcast %mul3A_82 : f32 to vector<768x256xf32>
    %mul3A_84 = arith.mulf %mul3A_83, %dot_general3A_75 : vector<768x256xf32>
    %sub3A_85 = arith.subf %add3A_81, %mul3A_84 : vector<768x256xf32>
    %max3A_86 = arith.constant 0.000000e+00 : f32
    %max3A_87 = vector.broadcast %max3A_86 : f32 to vector<768x256xf32>
    %max3A_88 = arith.maximumf %sub3A_85, %max3A_87 : vector<768x256xf32>
    %sqrt3A_89 = math.sqrt %max3A_88 : vector<768x256xf32>
    %lt3A_90 = arith.cmpf olt, %sqrt3A_89, %select_n3A_70 : vector<768x256xf32>
    %jit3A_91 = arith.constant 3.000000e+00 : f32
    %broadcast_in_dim3A_92 = vector.broadcast %jit3A_91 : f32 to vector<768x256xf32>
    %select_n3A_93 = arith.select %lt3A_90, %broadcast_in_dim3A_92, %select_n3A_69 : vector<768x256xi1>, vector<768x256xf32>
    %select_n3A_94 = arith.select %lt3A_90, %sqrt3A_89, %select_n3A_70 : vector<768x256xi1>, vector<768x256xf32>
    %get3A_95 = arith.constant 0 : index
    %get3A_96 = arith.constant 1024 : index
    %get3A_97 = vector.load %arg2[%get3A_95, %get3A_96] : memref<256x8192xf32, #tpu.memory_space<vmem>>, vector<256x256xf32>
    %dot_general3A_98 = arith.constant dense<0.000000e+00> : vector<768x256xf32>
    %dot_general3A_99 = tpu.matmul %get3A_1, %get3A_97, %dot_general3A_98 {dimension_numbers = #tpu.dot_dimension_numbers<[1], [0], [0], [1], [0, 0, 1, 1], [], []>, transpose_lhs_hint = false} : vector<768x256xf32>, vector<256x256xf32>, vector<768x256xf32> -> vector<768x256xf32>
    %get3A_100 = arith.constant 0 : index
    %get3A_101 = arith.constant 1024 : index
    %get3A_102 = vector.load %arg4[%get3A_100, %get3A_101] : memref<1x8192xf32, #tpu.memory_space<vmem>>, vector<1x256xf32>
    %add3A_103 = vector.broadcast %get3A_4 : vector<768x1xf32> to vector<768x256xf32>
    %add3A_104 = vector.broadcast %get3A_102 : vector<1x256xf32> to vector<768x256xf32>
    %add3A_105 = arith.addf %add3A_103, %add3A_104 : vector<768x256xf32>
    %mul3A_106 = arith.constant 2.000000e+00 : f32
    %mul3A_107 = vector.broadcast %mul3A_106 : f32 to vector<768x256xf32>
    %mul3A_108 = arith.mulf %mul3A_107, %dot_general3A_99 : vector<768x256xf32>
    %sub3A_109 = arith.subf %add3A_105, %mul3A_108 : vector<768x256xf32>
    %max3A_110 = arith.constant 0.000000e+00 : f32
    %max3A_111 = vector.broadcast %max3A_110 : f32 to vector<768x256xf32>
    %max3A_112 = arith.maximumf %sub3A_109, %max3A_111 : vector<768x256xf32>
    %sqrt3A_113 = math.sqrt %max3A_112 : vector<768x256xf32>
    %lt3A_114 = arith.cmpf olt, %sqrt3A_113, %select_n3A_94 : vector<768x256xf32>
    %jit3A_115 = arith.constant 4.000000e+00 : f32
    %broadcast_in_dim3A_116 = vector.broadcast %jit3A_115 : f32 to vector<768x256xf32>
    %select_n3A_117 = arith.select %lt3A_114, %broadcast_in_dim3A_116, %select_n3A_93 : vector<768x256xi1>, vector<768x256xf32>
    %select_n3A_118 = arith.select %lt3A_114, %sqrt3A_113, %select_n3A_94 : vector<768x256xi1>, vector<768x256xf32>
    %get3A_119 = arith.constant 0 : index
    %get3A_120 = arith.constant 1280 : index
    %get3A_121 = vector.load %arg2[%get3A_119, %get3A_120] : memref<256x8192xf32, #tpu.memory_space<vmem>>, vector<256x256xf32>
    %dot_general3A_122 = arith.constant dense<0.000000e+00> : vector<768x256xf32>
    %dot_general3A_123 = tpu.matmul %get3A_1, %get3A_121, %dot_general3A_122 {dimension_numbers = #tpu.dot_dimension_numbers<[1], [0], [0], [1], [0, 0, 1, 1], [], []>, transpose_lhs_hint = false} : vector<768x256xf32>, vector<256x256xf32>, vector<768x256xf32> -> vector<768x256xf32>
    %get3A_124 = arith.constant 0 : index
    %get3A_125 = arith.constant 1280 : index
    %get3A_126 = vector.load %arg4[%get3A_124, %get3A_125] : memref<1x8192xf32, #tpu.memory_space<vmem>>, vector<1x256xf32>
    %add3A_127 = vector.broadcast %get3A_4 : vector<768x1xf32> to vector<768x256xf32>
    %add3A_128 = vector.broadcast %get3A_126 : vector<1x256xf32> to vector<768x256xf32>
    %add3A_129 = arith.addf %add3A_127, %add3A_128 : vector<768x256xf32>
    %mul3A_130 = arith.constant 2.000000e+00 : f32
    %mul3A_131 = vector.broadcast %mul3A_130 : f32 to vector<768x256xf32>
    %mul3A_132 = arith.mulf %mul3A_131, %dot_general3A_123 : vector<768x256xf32>
    %sub3A_133 = arith.subf %add3A_129, %mul3A_132 : vector<768x256xf32>
    %max3A_134 = arith.constant 0.000000e+00 : f32
    %max3A_135 = vector.broadcast %max3A_134 : f32 to vector<768x256xf32>
    %max3A_136 = arith.maximumf %sub3A_133, %max3A_135 : vector<768x256xf32>
    %sqrt3A_137 = math.sqrt %max3A_136 : vector<768x256xf32>
    %lt3A_138 = arith.cmpf olt, %sqrt3A_137, %select_n3A_118 : vector<768x256xf32>
    %jit3A_139 = arith.constant 5.000000e+00 : f32
    %broadcast_in_dim3A_140 = vector.broadcast %jit3A_139 : f32 to vector<768x256xf32>
    %select_n3A_141 = arith.select %lt3A_138, %broadcast_in_dim3A_140, %select_n3A_117 : vector<768x256xi1>, vector<768x256xf32>
    %select_n3A_142 = arith.select %lt3A_138, %sqrt3A_137, %select_n3A_118 : vector<768x256xi1>, vector<768x256xf32>
    %get3A_143 = arith.constant 0 : index
    %get3A_144 = arith.constant 1536 : index
    %get3A_145 = vector.load %arg2[%get3A_143, %get3A_144] : memref<256x8192xf32, #tpu.memory_space<vmem>>, vector<256x256xf32>
    %dot_general3A_146 = arith.constant dense<0.000000e+00> : vector<768x256xf32>
    %dot_general3A_147 = tpu.matmul %get3A_1, %get3A_145, %dot_general3A_146 {dimension_numbers = #tpu.dot_dimension_numbers<[1], [0], [0], [1], [0, 0, 1, 1], [], []>, transpose_lhs_hint = false} : vector<768x256xf32>, vector<256x256xf32>, vector<768x256xf32> -> vector<768x256xf32>
    %get3A_148 = arith.constant 0 : index
    %get3A_149 = arith.constant 1536 : index
    %get3A_150 = vector.load %arg4[%get3A_148, %get3A_149] : memref<1x8192xf32, #tpu.memory_space<vmem>>, vector<1x256xf32>
    %add3A_151 = vector.broadcast %get3A_4 : vector<768x1xf32> to vector<768x256xf32>
    %add3A_152 = vector.broadcast %get3A_150 : vector<1x256xf32> to vector<768x256xf32>
    %add3A_153 = arith.addf %add3A_151, %add3A_152 : vector<768x256xf32>
    %mul3A_154 = arith.constant 2.000000e+00 : f32
    %mul3A_155 = vector.broadcast %mul3A_154 : f32 to vector<768x256xf32>
    %mul3A_156 = arith.mulf %mul3A_155, %dot_general3A_147 : vector<768x256xf32>
    %sub3A_157 = arith.subf %add3A_153, %mul3A_156 : vector<768x256xf32>
    %max3A_158 = arith.constant 0.000000e+00 : f32
    %max3A_159 = vector.broadcast %max3A_158 : f32 to vector<768x256xf32>
    %max3A_160 = arith.maximumf %sub3A_157, %max3A_159 : vector<768x256xf32>
    %sqrt3A_161 = math.sqrt %max3A_160 : vector<768x256xf32>
    %lt3A_162 = arith.cmpf olt, %sqrt3A_161, %select_n3A_142 : vector<768x256xf32>
    %jit3A_163 = arith.constant 6.000000e+00 : f32
    %broadcast_in_dim3A_164 = vector.broadcast %jit3A_163 : f32 to vector<768x256xf32>
    %select_n3A_165 = arith.select %lt3A_162, %broadcast_in_dim3A_164, %select_n3A_141 : vector<768x256xi1>, vector<768x256xf32>
    %select_n3A_166 = arith.select %lt3A_162, %sqrt3A_161, %select_n3A_142 : vector<768x256xi1>, vector<768x256xf32>
    %get3A_167 = arith.constant 0 : index
    %get3A_168 = arith.constant 1792 : index
    %get3A_169 = vector.load %arg2[%get3A_167, %get3A_168] : memref<256x8192xf32, #tpu.memory_space<vmem>>, vector<256x256xf32>
    %dot_general3A_170 = arith.constant dense<0.000000e+00> : vector<768x256xf32>
    %dot_general3A_171 = tpu.matmul %get3A_1, %get3A_169, %dot_general3A_170 {dimension_numbers = #tpu.dot_dimension_numbers<[1], [0], [0], [1], [0, 0, 1, 1], [], []>, transpose_lhs_hint = false} : vector<768x256xf32>, vector<256x256xf32>, vector<768x256xf32> -> vector<768x256xf32>
    %get3A_172 = arith.constant 0 : index
    %get3A_173 = arith.constant 1792 : index
    %get3A_174 = vector.load %arg4[%get3A_172, %get3A_173] : memref<1x8192xf32, #tpu.memory_space<vmem>>, vector<1x256xf32>
    %add3A_175 = vector.broadcast %get3A_4 : vector<768x1xf32> to vector<768x256xf32>
    %add3A_176 = vector.broadcast %get3A_174 : vector<1x256xf32> to vector<768x256xf32>
    %add3A_177 = arith.addf %add3A_175, %add3A_176 : vector<768x256xf32>
    %mul3A_178 = arith.constant 2.000000e+00 : f32
    %mul3A_179 = vector.broadcast %mul3A_178 : f32 to vector<768x256xf32>
    %mul3A_180 = arith.mulf %mul3A_179, %dot_general3A_171 : vector<768x256xf32>
    %sub3A_181 = arith.subf %add3A_177, %mul3A_180 : vector<768x256xf32>
    %max3A_182 = arith.constant 0.000000e+00 : f32
    %max3A_183 = vector.broadcast %max3A_182 : f32 to vector<768x256xf32>
    %max3A_184 = arith.maximumf %sub3A_181, %max3A_183 : vector<768x256xf32>
    %sqrt3A_185 = math.sqrt %max3A_184 : vector<768x256xf32>
    %lt3A_186 = arith.cmpf olt, %sqrt3A_185, %select_n3A_166 : vector<768x256xf32>
    %jit3A_187 = arith.constant 7.000000e+00 : f32
    %broadcast_in_dim3A_188 = vector.broadcast %jit3A_187 : f32 to vector<768x256xf32>
    %select_n3A_189 = arith.select %lt3A_186, %broadcast_in_dim3A_188, %select_n3A_165 : vector<768x256xi1>, vector<768x256xf32>
    %select_n3A_190 = arith.select %lt3A_186, %sqrt3A_185, %select_n3A_166 : vector<768x256xi1>, vector<768x256xf32>
    %get3A_191 = arith.constant 0 : index
    %get3A_192 = arith.constant 2048 : index
    %get3A_193 = vector.load %arg2[%get3A_191, %get3A_192] : memref<256x8192xf32, #tpu.memory_space<vmem>>, vector<256x256xf32>
    %dot_general3A_194 = arith.constant dense<0.000000e+00> : vector<768x256xf32>
    %dot_general3A_195 = tpu.matmul %get3A_1, %get3A_193, %dot_general3A_194 {dimension_numbers = #tpu.dot_dimension_numbers<[1], [0], [0], [1], [0, 0, 1, 1], [], []>, transpose_lhs_hint = false} : vector<768x256xf32>, vector<256x256xf32>, vector<768x256xf32> -> vector<768x256xf32>
    %get3A_196 = arith.constant 0 : index
    %get3A_197 = arith.constant 2048 : index
    %get3A_198 = vector.load %arg4[%get3A_196, %get3A_197] : memref<1x8192xf32, #tpu.memory_space<vmem>>, vector<1x256xf32>
    %add3A_199 = vector.broadcast %get3A_4 : vector<768x1xf32> to vector<768x256xf32>
    %add3A_200 = vector.broadcast %get3A_198 : vector<1x256xf32> to vector<768x256xf32>
    %add3A_201 = arith.addf %add3A_199, %add3A_200 : vector<768x256xf32>
    %mul3A_202 = arith.constant 2.000000e+00 : f32
    %mul3A_203 = vector.broadcast %mul3A_202 : f32 to vector<768x256xf32>
    %mul3A_204 = arith.mulf %mul3A_203, %dot_general3A_195 : vector<768x256xf32>
    %sub3A_205 = arith.subf %add3A_201, %mul3A_204 : vector<768x256xf32>
    %max3A_206 = arith.constant 0.000000e+00 : f32
    %max3A_207 = vector.broadcast %max3A_206 : f32 to vector<768x256xf32>
    %max3A_208 = arith.maximumf %sub3A_205, %max3A_207 : vector<768x256xf32>
    %sqrt3A_209 = math.sqrt %max3A_208 : vector<768x256xf32>
    %lt3A_210 = arith.cmpf olt, %sqrt3A_209, %select_n3A_190 : vector<768x256xf32>
    %jit3A_211 = arith.constant 8.000000e+00 : f32
    %broadcast_in_dim3A_212 = vector.broadcast %jit3A_211 : f32 to vector<768x256xf32>
    %select_n3A_213 = arith.select %lt3A_210, %broadcast_in_dim3A_212, %select_n3A_189 : vector<768x256xi1>, vector<768x256xf32>
    %select_n3A_214 = arith.select %lt3A_210, %sqrt3A_209, %select_n3A_190 : vector<768x256xi1>, vector<768x256xf32>
    %get3A_215 = arith.constant 0 : index
    %get3A_216 = arith.constant 2304 : index
    %get3A_217 = vector.load %arg2[%get3A_215, %get3A_216] : memref<256x8192xf32, #tpu.memory_space<vmem>>, vector<256x256xf32>
    %dot_general3A_218 = arith.constant dense<0.000000e+00> : vector<768x256xf32>
    %dot_general3A_219 = tpu.matmul %get3A_1, %get3A_217, %dot_general3A_218 {dimension_numbers = #tpu.dot_dimension_numbers<[1], [0], [0], [1], [0, 0, 1, 1], [], []>, transpose_lhs_hint = false} : vector<768x256xf32>, vector<256x256xf32>, vector<768x256xf32> -> vector<768x256xf32>
    %get3A_220 = arith.constant 0 : index
    %get3A_221 = arith.constant 2304 : index
    %get3A_222 = vector.load %arg4[%get3A_220, %get3A_221] : memref<1x8192xf32, #tpu.memory_space<vmem>>, vector<1x256xf32>
    %add3A_223 = vector.broadcast %get3A_4 : vector<768x1xf32> to vector<768x256xf32>
    %add3A_224 = vector.broadcast %get3A_222 : vector<1x256xf32> to vector<768x256xf32>
    %add3A_225 = arith.addf %add3A_223, %add3A_224 : vector<768x256xf32>
    %mul3A_226 = arith.constant 2.000000e+00 : f32
    %mul3A_227 = vector.broadcast %mul3A_226 : f32 to vector<768x256xf32>
    %mul3A_228 = arith.mulf %mul3A_227, %dot_general3A_219 : vector<768x256xf32>
    %sub3A_229 = arith.subf %add3A_225, %mul3A_228 : vector<768x256xf32>
    %max3A_230 = arith.constant 0.000000e+00 : f32
    %max3A_231 = vector.broadcast %max3A_230 : f32 to vector<768x256xf32>
    %max3A_232 = arith.maximumf %sub3A_229, %max3A_231 : vector<768x256xf32>
    %sqrt3A_233 = math.sqrt %max3A_232 : vector<768x256xf32>
    %lt3A_234 = arith.cmpf olt, %sqrt3A_233, %select_n3A_214 : vector<768x256xf32>
    %jit3A_235 = arith.constant 9.000000e+00 : f32
    %broadcast_in_dim3A_236 = vector.broadcast %jit3A_235 : f32 to vector<768x256xf32>
    %select_n3A_237 = arith.select %lt3A_234, %broadcast_in_dim3A_236, %select_n3A_213 : vector<768x256xi1>, vector<768x256xf32>
    %select_n3A_238 = arith.select %lt3A_234, %sqrt3A_233, %select_n3A_214 : vector<768x256xi1>, vector<768x256xf32>
    %get3A_239 = arith.constant 0 : index
    %get3A_240 = arith.constant 2560 : index
    %get3A_241 = vector.load %arg2[%get3A_239, %get3A_240] : memref<256x8192xf32, #tpu.memory_space<vmem>>, vector<256x256xf32>
    %dot_general3A_242 = arith.constant dense<0.000000e+00> : vector<768x256xf32>
    %dot_general3A_243 = tpu.matmul %get3A_1, %get3A_241, %dot_general3A_242 {dimension_numbers = #tpu.dot_dimension_numbers<[1], [0], [0], [1], [0, 0, 1, 1], [], []>, transpose_lhs_hint = false} : vector<768x256xf32>, vector<256x256xf32>, vector<768x256xf32> -> vector<768x256xf32>
    %get3A_244 = arith.constant 0 : index
    %get3A_245 = arith.constant 2560 : index
    %get3A_246 = vector.load %arg4[%get3A_244, %get3A_245] : memref<1x8192xf32, #tpu.memory_space<vmem>>, vector<1x256xf32>
    %add3A_247 = vector.broadcast %get3A_4 : vector<768x1xf32> to vector<768x256xf32>
    %add3A_248 = vector.broadcast %get3A_246 : vector<1x256xf32> to vector<768x256xf32>
    %add3A_249 = arith.addf %add3A_247, %add3A_248 : vector<768x256xf32>
    %mul3A_250 = arith.constant 2.000000e+00 : f32
    %mul3A_251 = vector.broadcast %mul3A_250 : f32 to vector<768x256xf32>
    %mul3A_252 = arith.mulf %mul3A_251, %dot_general3A_243 : vector<768x256xf32>
    %sub3A_253 = arith.subf %add3A_249, %mul3A_252 : vector<768x256xf32>
    %max3A_254 = arith.constant 0.000000e+00 : f32
    %max3A_255 = vector.broadcast %max3A_254 : f32 to vector<768x256xf32>
    %max3A_256 = arith.maximumf %sub3A_253, %max3A_255 : vector<768x256xf32>
    %sqrt3A_257 = math.sqrt %max3A_256 : vector<768x256xf32>
    %lt3A_258 = arith.cmpf olt, %sqrt3A_257, %select_n3A_238 : vector<768x256xf32>
    %jit3A_259 = arith.constant 1.000000e+01 : f32
    %broadcast_in_dim3A_260 = vector.broadcast %jit3A_259 : f32 to vector<768x256xf32>
    %select_n3A_261 = arith.select %lt3A_258, %broadcast_in_dim3A_260, %select_n3A_237 : vector<768x256xi1>, vector<768x256xf32>
    %select_n3A_262 = arith.select %lt3A_258, %sqrt3A_257, %select_n3A_238 : vector<768x256xi1>, vector<768x256xf32>
    %get3A_263 = arith.constant 0 : index
    %get3A_264 = arith.constant 2816 : index
    %get3A_265 = vector.load %arg2[%get3A_263, %get3A_264] : memref<256x8192xf32, #tpu.memory_space<vmem>>, vector<256x256xf32>
    %dot_general3A_266 = arith.constant dense<0.000000e+00> : vector<768x256xf32>
    %dot_general3A_267 = tpu.matmul %get3A_1, %get3A_265, %dot_general3A_266 {dimension_numbers = #tpu.dot_dimension_numbers<[1], [0], [0], [1], [0, 0, 1, 1], [], []>, transpose_lhs_hint = false} : vector<768x256xf32>, vector<256x256xf32>, vector<768x256xf32> -> vector<768x256xf32>
    %get3A_268 = arith.constant 0 : index
    %get3A_269 = arith.constant 2816 : index
    %get3A_270 = vector.load %arg4[%get3A_268, %get3A_269] : memref<1x8192xf32, #tpu.memory_space<vmem>>, vector<1x256xf32>
    %add3A_271 = vector.broadcast %get3A_4 : vector<768x1xf32> to vector<768x256xf32>
    %add3A_272 = vector.broadcast %get3A_270 : vector<1x256xf32> to vector<768x256xf32>
    %add3A_273 = arith.addf %add3A_271, %add3A_272 : vector<768x256xf32>
    %mul3A_274 = arith.constant 2.000000e+00 : f32
    %mul3A_275 = vector.broadcast %mul3A_274 : f32 to vector<768x256xf32>
    %mul3A_276 = arith.mulf %mul3A_275, %dot_general3A_267 : vector<768x256xf32>
    %sub3A_277 = arith.subf %add3A_273, %mul3A_276 : vector<768x256xf32>
    %max3A_278 = arith.constant 0.000000e+00 : f32
    %max3A_279 = vector.broadcast %max3A_278 : f32 to vector<768x256xf32>
    %max3A_280 = arith.maximumf %sub3A_277, %max3A_279 : vector<768x256xf32>
    %sqrt3A_281 = math.sqrt %max3A_280 : vector<768x256xf32>
    %lt3A_282 = arith.cmpf olt, %sqrt3A_281, %select_n3A_262 : vector<768x256xf32>
    %jit3A_283 = arith.constant 1.100000e+01 : f32
    %broadcast_in_dim3A_284 = vector.broadcast %jit3A_283 : f32 to vector<768x256xf32>
    %select_n3A_285 = arith.select %lt3A_282, %broadcast_in_dim3A_284, %select_n3A_261 : vector<768x256xi1>, vector<768x256xf32>
    %select_n3A_286 = arith.select %lt3A_282, %sqrt3A_281, %select_n3A_262 : vector<768x256xi1>, vector<768x256xf32>
    %get3A_287 = arith.constant 0 : index
    %get3A_288 = arith.constant 3072 : index
    %get3A_289 = vector.load %arg2[%get3A_287, %get3A_288] : memref<256x8192xf32, #tpu.memory_space<vmem>>, vector<256x256xf32>
    %dot_general3A_290 = arith.constant dense<0.000000e+00> : vector<768x256xf32>
    %dot_general3A_291 = tpu.matmul %get3A_1, %get3A_289, %dot_general3A_290 {dimension_numbers = #tpu.dot_dimension_numbers<[1], [0], [0], [1], [0, 0, 1, 1], [], []>, transpose_lhs_hint = false} : vector<768x256xf32>, vector<256x256xf32>, vector<768x256xf32> -> vector<768x256xf32>
    %get3A_292 = arith.constant 0 : index
    %get3A_293 = arith.constant 3072 : index
    %get3A_294 = vector.load %arg4[%get3A_292, %get3A_293] : memref<1x8192xf32, #tpu.memory_space<vmem>>, vector<1x256xf32>
    %add3A_295 = vector.broadcast %get3A_4 : vector<768x1xf32> to vector<768x256xf32>
    %add3A_296 = vector.broadcast %get3A_294 : vector<1x256xf32> to vector<768x256xf32>
    %add3A_297 = arith.addf %add3A_295, %add3A_296 : vector<768x256xf32>
    %mul3A_298 = arith.constant 2.000000e+00 : f32
    %mul3A_299 = vector.broadcast %mul3A_298 : f32 to vector<768x256xf32>
    %mul3A_300 = arith.mulf %mul3A_299, %dot_general3A_291 : vector<768x256xf32>
    %sub3A_301 = arith.subf %add3A_297, %mul3A_300 : vector<768x256xf32>
    %max3A_302 = arith.constant 0.000000e+00 : f32
    %max3A_303 = vector.broadcast %max3A_302 : f32 to vector<768x256xf32>
    %max3A_304 = arith.maximumf %sub3A_301, %max3A_303 : vector<768x256xf32>
    %sqrt3A_305 = math.sqrt %max3A_304 : vector<768x256xf32>
    %lt3A_306 = arith.cmpf olt, %sqrt3A_305, %select_n3A_286 : vector<768x256xf32>
    %jit3A_307 = arith.constant 1.200000e+01 : f32
    %broadcast_in_dim3A_308 = vector.broadcast %jit3A_307 : f32 to vector<768x256xf32>
    %select_n3A_309 = arith.select %lt3A_306, %broadcast_in_dim3A_308, %select_n3A_285 : vector<768x256xi1>, vector<768x256xf32>
    %select_n3A_310 = arith.select %lt3A_306, %sqrt3A_305, %select_n3A_286 : vector<768x256xi1>, vector<768x256xf32>
    %get3A_311 = arith.constant 0 : index
    %get3A_312 = arith.constant 3328 : index
    %get3A_313 = vector.load %arg2[%get3A_311, %get3A_312] : memref<256x8192xf32, #tpu.memory_space<vmem>>, vector<256x256xf32>
    %dot_general3A_314 = arith.constant dense<0.000000e+00> : vector<768x256xf32>
    %dot_general3A_315 = tpu.matmul %get3A_1, %get3A_313, %dot_general3A_314 {dimension_numbers = #tpu.dot_dimension_numbers<[1], [0], [0], [1], [0, 0, 1, 1], [], []>, transpose_lhs_hint = false} : vector<768x256xf32>, vector<256x256xf32>, vector<768x256xf32> -> vector<768x256xf32>
    %get3A_316 = arith.constant 0 : index
    %get3A_317 = arith.constant 3328 : index
    %get3A_318 = vector.load %arg4[%get3A_316, %get3A_317] : memref<1x8192xf32, #tpu.memory_space<vmem>>, vector<1x256xf32>
    %add3A_319 = vector.broadcast %get3A_4 : vector<768x1xf32> to vector<768x256xf32>
    %add3A_320 = vector.broadcast %get3A_318 : vector<1x256xf32> to vector<768x256xf32>
    %add3A_321 = arith.addf %add3A_319, %add3A_320 : vector<768x256xf32>
    %mul3A_322 = arith.constant 2.000000e+00 : f32
    %mul3A_323 = vector.broadcast %mul3A_322 : f32 to vector<768x256xf32>
    %mul3A_324 = arith.mulf %mul3A_323, %dot_general3A_315 : vector<768x256xf32>
    %sub3A_325 = arith.subf %add3A_321, %mul3A_324 : vector<768x256xf32>
    %max3A_326 = arith.constant 0.000000e+00 : f32
    %max3A_327 = vector.broadcast %max3A_326 : f32 to vector<768x256xf32>
    %max3A_328 = arith.maximumf %sub3A_325, %max3A_327 : vector<768x256xf32>
    %sqrt3A_329 = math.sqrt %max3A_328 : vector<768x256xf32>
    %lt3A_330 = arith.cmpf olt, %sqrt3A_329, %select_n3A_310 : vector<768x256xf32>
    %jit3A_331 = arith.constant 1.300000e+01 : f32
    %broadcast_in_dim3A_332 = vector.broadcast %jit3A_331 : f32 to vector<768x256xf32>
    %select_n3A_333 = arith.select %lt3A_330, %broadcast_in_dim3A_332, %select_n3A_309 : vector<768x256xi1>, vector<768x256xf32>
    %select_n3A_334 = arith.select %lt3A_330, %sqrt3A_329, %select_n3A_310 : vector<768x256xi1>, vector<768x256xf32>
    %get3A_335 = arith.constant 0 : index
    %get3A_336 = arith.constant 3584 : index
    %get3A_337 = vector.load %arg2[%get3A_335, %get3A_336] : memref<256x8192xf32, #tpu.memory_space<vmem>>, vector<256x256xf32>
    %dot_general3A_338 = arith.constant dense<0.000000e+00> : vector<768x256xf32>
    %dot_general3A_339 = tpu.matmul %get3A_1, %get3A_337, %dot_general3A_338 {dimension_numbers = #tpu.dot_dimension_numbers<[1], [0], [0], [1], [0, 0, 1, 1], [], []>, transpose_lhs_hint = false} : vector<768x256xf32>, vector<256x256xf32>, vector<768x256xf32> -> vector<768x256xf32>
    %get3A_340 = arith.constant 0 : index
    %get3A_341 = arith.constant 3584 : index
    %get3A_342 = vector.load %arg4[%get3A_340, %get3A_341] : memref<1x8192xf32, #tpu.memory_space<vmem>>, vector<1x256xf32>
    %add3A_343 = vector.broadcast %get3A_4 : vector<768x1xf32> to vector<768x256xf32>
    %add3A_344 = vector.broadcast %get3A_342 : vector<1x256xf32> to vector<768x256xf32>
    %add3A_345 = arith.addf %add3A_343, %add3A_344 : vector<768x256xf32>
    %mul3A_346 = arith.constant 2.000000e+00 : f32
    %mul3A_347 = vector.broadcast %mul3A_346 : f32 to vector<768x256xf32>
    %mul3A_348 = arith.mulf %mul3A_347, %dot_general3A_339 : vector<768x256xf32>
    %sub3A_349 = arith.subf %add3A_345, %mul3A_348 : vector<768x256xf32>
    %max3A_350 = arith.constant 0.000000e+00 : f32
    %max3A_351 = vector.broadcast %max3A_350 : f32 to vector<768x256xf32>
    %max3A_352 = arith.maximumf %sub3A_349, %max3A_351 : vector<768x256xf32>
    %sqrt3A_353 = math.sqrt %max3A_352 : vector<768x256xf32>
    %lt3A_354 = arith.cmpf olt, %sqrt3A_353, %select_n3A_334 : vector<768x256xf32>
    %jit3A_355 = arith.constant 1.400000e+01 : f32
    %broadcast_in_dim3A_356 = vector.broadcast %jit3A_355 : f32 to vector<768x256xf32>
    %select_n3A_357 = arith.select %lt3A_354, %broadcast_in_dim3A_356, %select_n3A_333 : vector<768x256xi1>, vector<768x256xf32>
    %select_n3A_358 = arith.select %lt3A_354, %sqrt3A_353, %select_n3A_334 : vector<768x256xi1>, vector<768x256xf32>
    %get3A_359 = arith.constant 0 : index
    %get3A_360 = arith.constant 3840 : index
    %get3A_361 = vector.load %arg2[%get3A_359, %get3A_360] : memref<256x8192xf32, #tpu.memory_space<vmem>>, vector<256x256xf32>
    %dot_general3A_362 = arith.constant dense<0.000000e+00> : vector<768x256xf32>
    %dot_general3A_363 = tpu.matmul %get3A_1, %get3A_361, %dot_general3A_362 {dimension_numbers = #tpu.dot_dimension_numbers<[1], [0], [0], [1], [0, 0, 1, 1], [], []>, transpose_lhs_hint = false} : vector<768x256xf32>, vector<256x256xf32>, vector<768x256xf32> -> vector<768x256xf32>
    %get3A_364 = arith.constant 0 : index
    %get3A_365 = arith.constant 3840 : index
    %get3A_366 = vector.load %arg4[%get3A_364, %get3A_365] : memref<1x8192xf32, #tpu.memory_space<vmem>>, vector<1x256xf32>
    %add3A_367 = vector.broadcast %get3A_4 : vector<768x1xf32> to vector<768x256xf32>
    %add3A_368 = vector.broadcast %get3A_366 : vector<1x256xf32> to vector<768x256xf32>
    %add3A_369 = arith.addf %add3A_367, %add3A_368 : vector<768x256xf32>
    %mul3A_370 = arith.constant 2.000000e+00 : f32
    %mul3A_371 = vector.broadcast %mul3A_370 : f32 to vector<768x256xf32>
    %mul3A_372 = arith.mulf %mul3A_371, %dot_general3A_363 : vector<768x256xf32>
    %sub3A_373 = arith.subf %add3A_369, %mul3A_372 : vector<768x256xf32>
    %max3A_374 = arith.constant 0.000000e+00 : f32
    %max3A_375 = vector.broadcast %max3A_374 : f32 to vector<768x256xf32>
    %max3A_376 = arith.maximumf %sub3A_373, %max3A_375 : vector<768x256xf32>
    %sqrt3A_377 = math.sqrt %max3A_376 : vector<768x256xf32>
    %lt3A_378 = arith.cmpf olt, %sqrt3A_377, %select_n3A_358 : vector<768x256xf32>
    %jit3A_379 = arith.constant 1.500000e+01 : f32
    %broadcast_in_dim3A_380 = vector.broadcast %jit3A_379 : f32 to vector<768x256xf32>
    %select_n3A_381 = arith.select %lt3A_378, %broadcast_in_dim3A_380, %select_n3A_357 : vector<768x256xi1>, vector<768x256xf32>
    %select_n3A_382 = arith.select %lt3A_378, %sqrt3A_377, %select_n3A_358 : vector<768x256xi1>, vector<768x256xf32>
    %get3A_383 = arith.constant 0 : index
    %get3A_384 = arith.constant 4096 : index
    %get3A_385 = vector.load %arg2[%get3A_383, %get3A_384] : memref<256x8192xf32, #tpu.memory_space<vmem>>, vector<256x256xf32>
    %dot_general3A_386 = arith.constant dense<0.000000e+00> : vector<768x256xf32>
    %dot_general3A_387 = tpu.matmul %get3A_1, %get3A_385, %dot_general3A_386 {dimension_numbers = #tpu.dot_dimension_numbers<[1], [0], [0], [1], [0, 0, 1, 1], [], []>, transpose_lhs_hint = false} : vector<768x256xf32>, vector<256x256xf32>, vector<768x256xf32> -> vector<768x256xf32>
    %get3A_388 = arith.constant 0 : index
    %get3A_389 = arith.constant 4096 : index
    %get3A_390 = vector.load %arg4[%get3A_388, %get3A_389] : memref<1x8192xf32, #tpu.memory_space<vmem>>, vector<1x256xf32>
    %add3A_391 = vector.broadcast %get3A_4 : vector<768x1xf32> to vector<768x256xf32>
    %add3A_392 = vector.broadcast %get3A_390 : vector<1x256xf32> to vector<768x256xf32>
    %add3A_393 = arith.addf %add3A_391, %add3A_392 : vector<768x256xf32>
    %mul3A_394 = arith.constant 2.000000e+00 : f32
    %mul3A_395 = vector.broadcast %mul3A_394 : f32 to vector<768x256xf32>
    %mul3A_396 = arith.mulf %mul3A_395, %dot_general3A_387 : vector<768x256xf32>
    %sub3A_397 = arith.subf %add3A_393, %mul3A_396 : vector<768x256xf32>
    %max3A_398 = arith.constant 0.000000e+00 : f32
    %max3A_399 = vector.broadcast %max3A_398 : f32 to vector<768x256xf32>
    %max3A_400 = arith.maximumf %sub3A_397, %max3A_399 : vector<768x256xf32>
    %sqrt3A_401 = math.sqrt %max3A_400 : vector<768x256xf32>
    %lt3A_402 = arith.cmpf olt, %sqrt3A_401, %select_n3A_382 : vector<768x256xf32>
    %jit3A_403 = arith.constant 1.600000e+01 : f32
    %broadcast_in_dim3A_404 = vector.broadcast %jit3A_403 : f32 to vector<768x256xf32>
    %select_n3A_405 = arith.select %lt3A_402, %broadcast_in_dim3A_404, %select_n3A_381 : vector<768x256xi1>, vector<768x256xf32>
    %select_n3A_406 = arith.select %lt3A_402, %sqrt3A_401, %select_n3A_382 : vector<768x256xi1>, vector<768x256xf32>
    %get3A_407 = arith.constant 0 : index
    %get3A_408 = arith.constant 4352 : index
    %get3A_409 = vector.load %arg2[%get3A_407, %get3A_408] : memref<256x8192xf32, #tpu.memory_space<vmem>>, vector<256x256xf32>
    %dot_general3A_410 = arith.constant dense<0.000000e+00> : vector<768x256xf32>
    %dot_general3A_411 = tpu.matmul %get3A_1, %get3A_409, %dot_general3A_410 {dimension_numbers = #tpu.dot_dimension_numbers<[1], [0], [0], [1], [0, 0, 1, 1], [], []>, transpose_lhs_hint = false} : vector<768x256xf32>, vector<256x256xf32>, vector<768x256xf32> -> vector<768x256xf32>
    %get3A_412 = arith.constant 0 : index
    %get3A_413 = arith.constant 4352 : index
    %get3A_414 = vector.load %arg4[%get3A_412, %get3A_413] : memref<1x8192xf32, #tpu.memory_space<vmem>>, vector<1x256xf32>
    %add3A_415 = vector.broadcast %get3A_4 : vector<768x1xf32> to vector<768x256xf32>
    %add3A_416 = vector.broadcast %get3A_414 : vector<1x256xf32> to vector<768x256xf32>
    %add3A_417 = arith.addf %add3A_415, %add3A_416 : vector<768x256xf32>
    %mul3A_418 = arith.constant 2.000000e+00 : f32
    %mul3A_419 = vector.broadcast %mul3A_418 : f32 to vector<768x256xf32>
    %mul3A_420 = arith.mulf %mul3A_419, %dot_general3A_411 : vector<768x256xf32>
    %sub3A_421 = arith.subf %add3A_417, %mul3A_420 : vector<768x256xf32>
    %max3A_422 = arith.constant 0.000000e+00 : f32
    %max3A_423 = vector.broadcast %max3A_422 : f32 to vector<768x256xf32>
    %max3A_424 = arith.maximumf %sub3A_421, %max3A_423 : vector<768x256xf32>
    %sqrt3A_425 = math.sqrt %max3A_424 : vector<768x256xf32>
    %lt3A_426 = arith.cmpf olt, %sqrt3A_425, %select_n3A_406 : vector<768x256xf32>
    %jit3A_427 = arith.constant 1.700000e+01 : f32
    %broadcast_in_dim3A_428 = vector.broadcast %jit3A_427 : f32 to vector<768x256xf32>
    %select_n3A_429 = arith.select %lt3A_426, %broadcast_in_dim3A_428, %select_n3A_405 : vector<768x256xi1>, vector<768x256xf32>
    %select_n3A_430 = arith.select %lt3A_426, %sqrt3A_425, %select_n3A_406 : vector<768x256xi1>, vector<768x256xf32>
    %get3A_431 = arith.constant 0 : index
    %get3A_432 = arith.constant 4608 : index
    %get3A_433 = vector.load %arg2[%get3A_431, %get3A_432] : memref<256x8192xf32, #tpu.memory_space<vmem>>, vector<256x256xf32>
    %dot_general3A_434 = arith.constant dense<0.000000e+00> : vector<768x256xf32>
    %dot_general3A_435 = tpu.matmul %get3A_1, %get3A_433, %dot_general3A_434 {dimension_numbers = #tpu.dot_dimension_numbers<[1], [0], [0], [1], [0, 0, 1, 1], [], []>, transpose_lhs_hint = false} : vector<768x256xf32>, vector<256x256xf32>, vector<768x256xf32> -> vector<768x256xf32>
    %get3A_436 = arith.constant 0 : index
    %get3A_437 = arith.constant 4608 : index
    %get3A_438 = vector.load %arg4[%get3A_436, %get3A_437] : memref<1x8192xf32, #tpu.memory_space<vmem>>, vector<1x256xf32>
    %add3A_439 = vector.broadcast %get3A_4 : vector<768x1xf32> to vector<768x256xf32>
    %add3A_440 = vector.broadcast %get3A_438 : vector<1x256xf32> to vector<768x256xf32>
    %add3A_441 = arith.addf %add3A_439, %add3A_440 : vector<768x256xf32>
    %mul3A_442 = arith.constant 2.000000e+00 : f32
    %mul3A_443 = vector.broadcast %mul3A_442 : f32 to vector<768x256xf32>
    %mul3A_444 = arith.mulf %mul3A_443, %dot_general3A_435 : vector<768x256xf32>
    %sub3A_445 = arith.subf %add3A_441, %mul3A_444 : vector<768x256xf32>
    %max3A_446 = arith.constant 0.000000e+00 : f32
    %max3A_447 = vector.broadcast %max3A_446 : f32 to vector<768x256xf32>
    %max3A_448 = arith.maximumf %sub3A_445, %max3A_447 : vector<768x256xf32>
    %sqrt3A_449 = math.sqrt %max3A_448 : vector<768x256xf32>
    %lt3A_450 = arith.cmpf olt, %sqrt3A_449, %select_n3A_430 : vector<768x256xf32>
    %jit3A_451 = arith.constant 1.800000e+01 : f32
    %broadcast_in_dim3A_452 = vector.broadcast %jit3A_451 : f32 to vector<768x256xf32>
    %select_n3A_453 = arith.select %lt3A_450, %broadcast_in_dim3A_452, %select_n3A_429 : vector<768x256xi1>, vector<768x256xf32>
    %select_n3A_454 = arith.select %lt3A_450, %sqrt3A_449, %select_n3A_430 : vector<768x256xi1>, vector<768x256xf32>
    %get3A_455 = arith.constant 0 : index
    %get3A_456 = arith.constant 4864 : index
    %get3A_457 = vector.load %arg2[%get3A_455, %get3A_456] : memref<256x8192xf32, #tpu.memory_space<vmem>>, vector<256x256xf32>
    %dot_general3A_458 = arith.constant dense<0.000000e+00> : vector<768x256xf32>
    %dot_general3A_459 = tpu.matmul %get3A_1, %get3A_457, %dot_general3A_458 {dimension_numbers = #tpu.dot_dimension_numbers<[1], [0], [0], [1], [0, 0, 1, 1], [], []>, transpose_lhs_hint = false} : vector<768x256xf32>, vector<256x256xf32>, vector<768x256xf32> -> vector<768x256xf32>
    %get3A_460 = arith.constant 0 : index
    %get3A_461 = arith.constant 4864 : index
    %get3A_462 = vector.load %arg4[%get3A_460, %get3A_461] : memref<1x8192xf32, #tpu.memory_space<vmem>>, vector<1x256xf32>
    %add3A_463 = vector.broadcast %get3A_4 : vector<768x1xf32> to vector<768x256xf32>
    %add3A_464 = vector.broadcast %get3A_462 : vector<1x256xf32> to vector<768x256xf32>
    %add3A_465 = arith.addf %add3A_463, %add3A_464 : vector<768x256xf32>
    %mul3A_466 = arith.constant 2.000000e+00 : f32
    %mul3A_467 = vector.broadcast %mul3A_466 : f32 to vector<768x256xf32>
    %mul3A_468 = arith.mulf %mul3A_467, %dot_general3A_459 : vector<768x256xf32>
    %sub3A_469 = arith.subf %add3A_465, %mul3A_468 : vector<768x256xf32>
    %max3A_470 = arith.constant 0.000000e+00 : f32
    %max3A_471 = vector.broadcast %max3A_470 : f32 to vector<768x256xf32>
    %max3A_472 = arith.maximumf %sub3A_469, %max3A_471 : vector<768x256xf32>
    %sqrt3A_473 = math.sqrt %max3A_472 : vector<768x256xf32>
    %lt3A_474 = arith.cmpf olt, %sqrt3A_473, %select_n3A_454 : vector<768x256xf32>
    %jit3A_475 = arith.constant 1.900000e+01 : f32
    %broadcast_in_dim3A_476 = vector.broadcast %jit3A_475 : f32 to vector<768x256xf32>
    %select_n3A_477 = arith.select %lt3A_474, %broadcast_in_dim3A_476, %select_n3A_453 : vector<768x256xi1>, vector<768x256xf32>
    %select_n3A_478 = arith.select %lt3A_474, %sqrt3A_473, %select_n3A_454 : vector<768x256xi1>, vector<768x256xf32>
    %get3A_479 = arith.constant 0 : index
    %get3A_480 = arith.constant 5120 : index
    %get3A_481 = vector.load %arg2[%get3A_479, %get3A_480] : memref<256x8192xf32, #tpu.memory_space<vmem>>, vector<256x256xf32>
    %dot_general3A_482 = arith.constant dense<0.000000e+00> : vector<768x256xf32>
    %dot_general3A_483 = tpu.matmul %get3A_1, %get3A_481, %dot_general3A_482 {dimension_numbers = #tpu.dot_dimension_numbers<[1], [0], [0], [1], [0, 0, 1, 1], [], []>, transpose_lhs_hint = false} : vector<768x256xf32>, vector<256x256xf32>, vector<768x256xf32> -> vector<768x256xf32>
    %get3A_484 = arith.constant 0 : index
    %get3A_485 = arith.constant 5120 : index
    %get3A_486 = vector.load %arg4[%get3A_484, %get3A_485] : memref<1x8192xf32, #tpu.memory_space<vmem>>, vector<1x256xf32>
    %add3A_487 = vector.broadcast %get3A_4 : vector<768x1xf32> to vector<768x256xf32>
    %add3A_488 = vector.broadcast %get3A_486 : vector<1x256xf32> to vector<768x256xf32>
    %add3A_489 = arith.addf %add3A_487, %add3A_488 : vector<768x256xf32>
    %mul3A_490 = arith.constant 2.000000e+00 : f32
    %mul3A_491 = vector.broadcast %mul3A_490 : f32 to vector<768x256xf32>
    %mul3A_492 = arith.mulf %mul3A_491, %dot_general3A_483 : vector<768x256xf32>
    %sub3A_493 = arith.subf %add3A_489, %mul3A_492 : vector<768x256xf32>
    %max3A_494 = arith.constant 0.000000e+00 : f32
    %max3A_495 = vector.broadcast %max3A_494 : f32 to vector<768x256xf32>
    %max3A_496 = arith.maximumf %sub3A_493, %max3A_495 : vector<768x256xf32>
    %sqrt3A_497 = math.sqrt %max3A_496 : vector<768x256xf32>
    %lt3A_498 = arith.cmpf olt, %sqrt3A_497, %select_n3A_478 : vector<768x256xf32>
    %jit3A_499 = arith.constant 2.000000e+01 : f32
    %broadcast_in_dim3A_500 = vector.broadcast %jit3A_499 : f32 to vector<768x256xf32>
    %select_n3A_501 = arith.select %lt3A_498, %broadcast_in_dim3A_500, %select_n3A_477 : vector<768x256xi1>, vector<768x256xf32>
    %select_n3A_502 = arith.select %lt3A_498, %sqrt3A_497, %select_n3A_478 : vector<768x256xi1>, vector<768x256xf32>
    %get3A_503 = arith.constant 0 : index
    %get3A_504 = arith.constant 5376 : index
    %get3A_505 = vector.load %arg2[%get3A_503, %get3A_504] : memref<256x8192xf32, #tpu.memory_space<vmem>>, vector<256x256xf32>
    %dot_general3A_506 = arith.constant dense<0.000000e+00> : vector<768x256xf32>
    %dot_general3A_507 = tpu.matmul %get3A_1, %get3A_505, %dot_general3A_506 {dimension_numbers = #tpu.dot_dimension_numbers<[1], [0], [0], [1], [0, 0, 1, 1], [], []>, transpose_lhs_hint = false} : vector<768x256xf32>, vector<256x256xf32>, vector<768x256xf32> -> vector<768x256xf32>
    %get3A_508 = arith.constant 0 : index
    %get3A_509 = arith.constant 5376 : index
    %get3A_510 = vector.load %arg4[%get3A_508, %get3A_509] : memref<1x8192xf32, #tpu.memory_space<vmem>>, vector<1x256xf32>
    %add3A_511 = vector.broadcast %get3A_4 : vector<768x1xf32> to vector<768x256xf32>
    %add3A_512 = vector.broadcast %get3A_510 : vector<1x256xf32> to vector<768x256xf32>
    %add3A_513 = arith.addf %add3A_511, %add3A_512 : vector<768x256xf32>
    %mul3A_514 = arith.constant 2.000000e+00 : f32
    %mul3A_515 = vector.broadcast %mul3A_514 : f32 to vector<768x256xf32>
    %mul3A_516 = arith.mulf %mul3A_515, %dot_general3A_507 : vector<768x256xf32>
    %sub3A_517 = arith.subf %add3A_513, %mul3A_516 : vector<768x256xf32>
    %max3A_518 = arith.constant 0.000000e+00 : f32
    %max3A_519 = vector.broadcast %max3A_518 : f32 to vector<768x256xf32>
    %max3A_520 = arith.maximumf %sub3A_517, %max3A_519 : vector<768x256xf32>
    %sqrt3A_521 = math.sqrt %max3A_520 : vector<768x256xf32>
    %lt3A_522 = arith.cmpf olt, %sqrt3A_521, %select_n3A_502 : vector<768x256xf32>
    %jit3A_523 = arith.constant 2.100000e+01 : f32
    %broadcast_in_dim3A_524 = vector.broadcast %jit3A_523 : f32 to vector<768x256xf32>
    %select_n3A_525 = arith.select %lt3A_522, %broadcast_in_dim3A_524, %select_n3A_501 : vector<768x256xi1>, vector<768x256xf32>
    %select_n3A_526 = arith.select %lt3A_522, %sqrt3A_521, %select_n3A_502 : vector<768x256xi1>, vector<768x256xf32>
    %get3A_527 = arith.constant 0 : index
    %get3A_528 = arith.constant 5632 : index
    %get3A_529 = vector.load %arg2[%get3A_527, %get3A_528] : memref<256x8192xf32, #tpu.memory_space<vmem>>, vector<256x256xf32>
    %dot_general3A_530 = arith.constant dense<0.000000e+00> : vector<768x256xf32>
    %dot_general3A_531 = tpu.matmul %get3A_1, %get3A_529, %dot_general3A_530 {dimension_numbers = #tpu.dot_dimension_numbers<[1], [0], [0], [1], [0, 0, 1, 1], [], []>, transpose_lhs_hint = false} : vector<768x256xf32>, vector<256x256xf32>, vector<768x256xf32> -> vector<768x256xf32>
    %get3A_532 = arith.constant 0 : index
    %get3A_533 = arith.constant 5632 : index
    %get3A_534 = vector.load %arg4[%get3A_532, %get3A_533] : memref<1x8192xf32, #tpu.memory_space<vmem>>, vector<1x256xf32>
    %add3A_535 = vector.broadcast %get3A_4 : vector<768x1xf32> to vector<768x256xf32>
    %add3A_536 = vector.broadcast %get3A_534 : vector<1x256xf32> to vector<768x256xf32>
    %add3A_537 = arith.addf %add3A_535, %add3A_536 : vector<768x256xf32>
    %mul3A_538 = arith.constant 2.000000e+00 : f32
    %mul3A_539 = vector.broadcast %mul3A_538 : f32 to vector<768x256xf32>
    %mul3A_540 = arith.mulf %mul3A_539, %dot_general3A_531 : vector<768x256xf32>
    %sub3A_541 = arith.subf %add3A_537, %mul3A_540 : vector<768x256xf32>
    %max3A_542 = arith.constant 0.000000e+00 : f32
    %max3A_543 = vector.broadcast %max3A_542 : f32 to vector<768x256xf32>
    %max3A_544 = arith.maximumf %sub3A_541, %max3A_543 : vector<768x256xf32>
    %sqrt3A_545 = math.sqrt %max3A_544 : vector<768x256xf32>
    %lt3A_546 = arith.cmpf olt, %sqrt3A_545, %select_n3A_526 : vector<768x256xf32>
    %jit3A_547 = arith.constant 2.200000e+01 : f32
    %broadcast_in_dim3A_548 = vector.broadcast %jit3A_547 : f32 to vector<768x256xf32>
    %select_n3A_549 = arith.select %lt3A_546, %broadcast_in_dim3A_548, %select_n3A_525 : vector<768x256xi1>, vector<768x256xf32>
    %select_n3A_550 = arith.select %lt3A_546, %sqrt3A_545, %select_n3A_526 : vector<768x256xi1>, vector<768x256xf32>
    %get3A_551 = arith.constant 0 : index
    %get3A_552 = arith.constant 5888 : index
    %get3A_553 = vector.load %arg2[%get3A_551, %get3A_552] : memref<256x8192xf32, #tpu.memory_space<vmem>>, vector<256x256xf32>
    %dot_general3A_554 = arith.constant dense<0.000000e+00> : vector<768x256xf32>
    %dot_general3A_555 = tpu.matmul %get3A_1, %get3A_553, %dot_general3A_554 {dimension_numbers = #tpu.dot_dimension_numbers<[1], [0], [0], [1], [0, 0, 1, 1], [], []>, transpose_lhs_hint = false} : vector<768x256xf32>, vector<256x256xf32>, vector<768x256xf32> -> vector<768x256xf32>
    %get3A_556 = arith.constant 0 : index
    %get3A_557 = arith.constant 5888 : index
    %get3A_558 = vector.load %arg4[%get3A_556, %get3A_557] : memref<1x8192xf32, #tpu.memory_space<vmem>>, vector<1x256xf32>
    %add3A_559 = vector.broadcast %get3A_4 : vector<768x1xf32> to vector<768x256xf32>
    %add3A_560 = vector.broadcast %get3A_558 : vector<1x256xf32> to vector<768x256xf32>
    %add3A_561 = arith.addf %add3A_559, %add3A_560 : vector<768x256xf32>
    %mul3A_562 = arith.constant 2.000000e+00 : f32
    %mul3A_563 = vector.broadcast %mul3A_562 : f32 to vector<768x256xf32>
    %mul3A_564 = arith.mulf %mul3A_563, %dot_general3A_555 : vector<768x256xf32>
    %sub3A_565 = arith.subf %add3A_561, %mul3A_564 : vector<768x256xf32>
    %max3A_566 = arith.constant 0.000000e+00 : f32
    %max3A_567 = vector.broadcast %max3A_566 : f32 to vector<768x256xf32>
    %max3A_568 = arith.maximumf %sub3A_565, %max3A_567 : vector<768x256xf32>
    %sqrt3A_569 = math.sqrt %max3A_568 : vector<768x256xf32>
    %lt3A_570 = arith.cmpf olt, %sqrt3A_569, %select_n3A_550 : vector<768x256xf32>
    %jit3A_571 = arith.constant 2.300000e+01 : f32
    %broadcast_in_dim3A_572 = vector.broadcast %jit3A_571 : f32 to vector<768x256xf32>
    %select_n3A_573 = arith.select %lt3A_570, %broadcast_in_dim3A_572, %select_n3A_549 : vector<768x256xi1>, vector<768x256xf32>
    %select_n3A_574 = arith.select %lt3A_570, %sqrt3A_569, %select_n3A_550 : vector<768x256xi1>, vector<768x256xf32>
    %get3A_575 = arith.constant 0 : index
    %get3A_576 = arith.constant 6144 : index
    %get3A_577 = vector.load %arg2[%get3A_575, %get3A_576] : memref<256x8192xf32, #tpu.memory_space<vmem>>, vector<256x256xf32>
    %dot_general3A_578 = arith.constant dense<0.000000e+00> : vector<768x256xf32>
    %dot_general3A_579 = tpu.matmul %get3A_1, %get3A_577, %dot_general3A_578 {dimension_numbers = #tpu.dot_dimension_numbers<[1], [0], [0], [1], [0, 0, 1, 1], [], []>, transpose_lhs_hint = false} : vector<768x256xf32>, vector<256x256xf32>, vector<768x256xf32> -> vector<768x256xf32>
    %get3A_580 = arith.constant 0 : index
    %get3A_581 = arith.constant 6144 : index
    %get3A_582 = vector.load %arg4[%get3A_580, %get3A_581] : memref<1x8192xf32, #tpu.memory_space<vmem>>, vector<1x256xf32>
    %add3A_583 = vector.broadcast %get3A_4 : vector<768x1xf32> to vector<768x256xf32>
    %add3A_584 = vector.broadcast %get3A_582 : vector<1x256xf32> to vector<768x256xf32>
    %add3A_585 = arith.addf %add3A_583, %add3A_584 : vector<768x256xf32>
    %mul3A_586 = arith.constant 2.000000e+00 : f32
    %mul3A_587 = vector.broadcast %mul3A_586 : f32 to vector<768x256xf32>
    %mul3A_588 = arith.mulf %mul3A_587, %dot_general3A_579 : vector<768x256xf32>
    %sub3A_589 = arith.subf %add3A_585, %mul3A_588 : vector<768x256xf32>
    %max3A_590 = arith.constant 0.000000e+00 : f32
    %max3A_591 = vector.broadcast %max3A_590 : f32 to vector<768x256xf32>
    %max3A_592 = arith.maximumf %sub3A_589, %max3A_591 : vector<768x256xf32>
    %sqrt3A_593 = math.sqrt %max3A_592 : vector<768x256xf32>
    %lt3A_594 = arith.cmpf olt, %sqrt3A_593, %select_n3A_574 : vector<768x256xf32>
    %jit3A_595 = arith.constant 2.400000e+01 : f32
    %broadcast_in_dim3A_596 = vector.broadcast %jit3A_595 : f32 to vector<768x256xf32>
    %select_n3A_597 = arith.select %lt3A_594, %broadcast_in_dim3A_596, %select_n3A_573 : vector<768x256xi1>, vector<768x256xf32>
    %select_n3A_598 = arith.select %lt3A_594, %sqrt3A_593, %select_n3A_574 : vector<768x256xi1>, vector<768x256xf32>
    %get3A_599 = arith.constant 0 : index
    %get3A_600 = arith.constant 6400 : index
    %get3A_601 = vector.load %arg2[%get3A_599, %get3A_600] : memref<256x8192xf32, #tpu.memory_space<vmem>>, vector<256x256xf32>
    %dot_general3A_602 = arith.constant dense<0.000000e+00> : vector<768x256xf32>
    %dot_general3A_603 = tpu.matmul %get3A_1, %get3A_601, %dot_general3A_602 {dimension_numbers = #tpu.dot_dimension_numbers<[1], [0], [0], [1], [0, 0, 1, 1], [], []>, transpose_lhs_hint = false} : vector<768x256xf32>, vector<256x256xf32>, vector<768x256xf32> -> vector<768x256xf32>
    %get3A_604 = arith.constant 0 : index
    %get3A_605 = arith.constant 6400 : index
    %get3A_606 = vector.load %arg4[%get3A_604, %get3A_605] : memref<1x8192xf32, #tpu.memory_space<vmem>>, vector<1x256xf32>
    %add3A_607 = vector.broadcast %get3A_4 : vector<768x1xf32> to vector<768x256xf32>
    %add3A_608 = vector.broadcast %get3A_606 : vector<1x256xf32> to vector<768x256xf32>
    %add3A_609 = arith.addf %add3A_607, %add3A_608 : vector<768x256xf32>
    %mul3A_610 = arith.constant 2.000000e+00 : f32
    %mul3A_611 = vector.broadcast %mul3A_610 : f32 to vector<768x256xf32>
    %mul3A_612 = arith.mulf %mul3A_611, %dot_general3A_603 : vector<768x256xf32>
    %sub3A_613 = arith.subf %add3A_609, %mul3A_612 : vector<768x256xf32>
    %max3A_614 = arith.constant 0.000000e+00 : f32
    %max3A_615 = vector.broadcast %max3A_614 : f32 to vector<768x256xf32>
    %max3A_616 = arith.maximumf %sub3A_613, %max3A_615 : vector<768x256xf32>
    %sqrt3A_617 = math.sqrt %max3A_616 : vector<768x256xf32>
    %lt3A_618 = arith.cmpf olt, %sqrt3A_617, %select_n3A_598 : vector<768x256xf32>
    %jit3A_619 = arith.constant 2.500000e+01 : f32
    %broadcast_in_dim3A_620 = vector.broadcast %jit3A_619 : f32 to vector<768x256xf32>
    %select_n3A_621 = arith.select %lt3A_618, %broadcast_in_dim3A_620, %select_n3A_597 : vector<768x256xi1>, vector<768x256xf32>
    %select_n3A_622 = arith.select %lt3A_618, %sqrt3A_617, %select_n3A_598 : vector<768x256xi1>, vector<768x256xf32>
    %get3A_623 = arith.constant 0 : index
    %get3A_624 = arith.constant 6656 : index
    %get3A_625 = vector.load %arg2[%get3A_623, %get3A_624] : memref<256x8192xf32, #tpu.memory_space<vmem>>, vector<256x256xf32>
    %dot_general3A_626 = arith.constant dense<0.000000e+00> : vector<768x256xf32>
    %dot_general3A_627 = tpu.matmul %get3A_1, %get3A_625, %dot_general3A_626 {dimension_numbers = #tpu.dot_dimension_numbers<[1], [0], [0], [1], [0, 0, 1, 1], [], []>, transpose_lhs_hint = false} : vector<768x256xf32>, vector<256x256xf32>, vector<768x256xf32> -> vector<768x256xf32>
    %get3A_628 = arith.constant 0 : index
    %get3A_629 = arith.constant 6656 : index
    %get3A_630 = vector.load %arg4[%get3A_628, %get3A_629] : memref<1x8192xf32, #tpu.memory_space<vmem>>, vector<1x256xf32>
    %add3A_631 = vector.broadcast %get3A_4 : vector<768x1xf32> to vector<768x256xf32>
    %add3A_632 = vector.broadcast %get3A_630 : vector<1x256xf32> to vector<768x256xf32>
    %add3A_633 = arith.addf %add3A_631, %add3A_632 : vector<768x256xf32>
    %mul3A_634 = arith.constant 2.000000e+00 : f32
    %mul3A_635 = vector.broadcast %mul3A_634 : f32 to vector<768x256xf32>
    %mul3A_636 = arith.mulf %mul3A_635, %dot_general3A_627 : vector<768x256xf32>
    %sub3A_637 = arith.subf %add3A_633, %mul3A_636 : vector<768x256xf32>
    %max3A_638 = arith.constant 0.000000e+00 : f32
    %max3A_639 = vector.broadcast %max3A_638 : f32 to vector<768x256xf32>
    %max3A_640 = arith.maximumf %sub3A_637, %max3A_639 : vector<768x256xf32>
    %sqrt3A_641 = math.sqrt %max3A_640 : vector<768x256xf32>
    %lt3A_642 = arith.cmpf olt, %sqrt3A_641, %select_n3A_622 : vector<768x256xf32>
    %jit3A_643 = arith.constant 2.600000e+01 : f32
    %broadcast_in_dim3A_644 = vector.broadcast %jit3A_643 : f32 to vector<768x256xf32>
    %select_n3A_645 = arith.select %lt3A_642, %broadcast_in_dim3A_644, %select_n3A_621 : vector<768x256xi1>, vector<768x256xf32>
    %select_n3A_646 = arith.select %lt3A_642, %sqrt3A_641, %select_n3A_622 : vector<768x256xi1>, vector<768x256xf32>
    %get3A_647 = arith.constant 0 : index
    %get3A_648 = arith.constant 6912 : index
    %get3A_649 = vector.load %arg2[%get3A_647, %get3A_648] : memref<256x8192xf32, #tpu.memory_space<vmem>>, vector<256x256xf32>
    %dot_general3A_650 = arith.constant dense<0.000000e+00> : vector<768x256xf32>
    %dot_general3A_651 = tpu.matmul %get3A_1, %get3A_649, %dot_general3A_650 {dimension_numbers = #tpu.dot_dimension_numbers<[1], [0], [0], [1], [0, 0, 1, 1], [], []>, transpose_lhs_hint = false} : vector<768x256xf32>, vector<256x256xf32>, vector<768x256xf32> -> vector<768x256xf32>
    %get3A_652 = arith.constant 0 : index
    %get3A_653 = arith.constant 6912 : index
    %get3A_654 = vector.load %arg4[%get3A_652, %get3A_653] : memref<1x8192xf32, #tpu.memory_space<vmem>>, vector<1x256xf32>
    %add3A_655 = vector.broadcast %get3A_4 : vector<768x1xf32> to vector<768x256xf32>
    %add3A_656 = vector.broadcast %get3A_654 : vector<1x256xf32> to vector<768x256xf32>
    %add3A_657 = arith.addf %add3A_655, %add3A_656 : vector<768x256xf32>
    %mul3A_658 = arith.constant 2.000000e+00 : f32
    %mul3A_659 = vector.broadcast %mul3A_658 : f32 to vector<768x256xf32>
    %mul3A_660 = arith.mulf %mul3A_659, %dot_general3A_651 : vector<768x256xf32>
    %sub3A_661 = arith.subf %add3A_657, %mul3A_660 : vector<768x256xf32>
    %max3A_662 = arith.constant 0.000000e+00 : f32
    %max3A_663 = vector.broadcast %max3A_662 : f32 to vector<768x256xf32>
    %max3A_664 = arith.maximumf %sub3A_661, %max3A_663 : vector<768x256xf32>
    %sqrt3A_665 = math.sqrt %max3A_664 : vector<768x256xf32>
    %lt3A_666 = arith.cmpf olt, %sqrt3A_665, %select_n3A_646 : vector<768x256xf32>
    %jit3A_667 = arith.constant 2.700000e+01 : f32
    %broadcast_in_dim3A_668 = vector.broadcast %jit3A_667 : f32 to vector<768x256xf32>
    %select_n3A_669 = arith.select %lt3A_666, %broadcast_in_dim3A_668, %select_n3A_645 : vector<768x256xi1>, vector<768x256xf32>
    %select_n3A_670 = arith.select %lt3A_666, %sqrt3A_665, %select_n3A_646 : vector<768x256xi1>, vector<768x256xf32>
    %get3A_671 = arith.constant 0 : index
    %get3A_672 = arith.constant 7168 : index
    %get3A_673 = vector.load %arg2[%get3A_671, %get3A_672] : memref<256x8192xf32, #tpu.memory_space<vmem>>, vector<256x256xf32>
    %dot_general3A_674 = arith.constant dense<0.000000e+00> : vector<768x256xf32>
    %dot_general3A_675 = tpu.matmul %get3A_1, %get3A_673, %dot_general3A_674 {dimension_numbers = #tpu.dot_dimension_numbers<[1], [0], [0], [1], [0, 0, 1, 1], [], []>, transpose_lhs_hint = false} : vector<768x256xf32>, vector<256x256xf32>, vector<768x256xf32> -> vector<768x256xf32>
    %get3A_676 = arith.constant 0 : index
    %get3A_677 = arith.constant 7168 : index
    %get3A_678 = vector.load %arg4[%get3A_676, %get3A_677] : memref<1x8192xf32, #tpu.memory_space<vmem>>, vector<1x256xf32>
    %add3A_679 = vector.broadcast %get3A_4 : vector<768x1xf32> to vector<768x256xf32>
    %add3A_680 = vector.broadcast %get3A_678 : vector<1x256xf32> to vector<768x256xf32>
    %add3A_681 = arith.addf %add3A_679, %add3A_680 : vector<768x256xf32>
    %mul3A_682 = arith.constant 2.000000e+00 : f32
    %mul3A_683 = vector.broadcast %mul3A_682 : f32 to vector<768x256xf32>
    %mul3A_684 = arith.mulf %mul3A_683, %dot_general3A_675 : vector<768x256xf32>
    %sub3A_685 = arith.subf %add3A_681, %mul3A_684 : vector<768x256xf32>
    %max3A_686 = arith.constant 0.000000e+00 : f32
    %max3A_687 = vector.broadcast %max3A_686 : f32 to vector<768x256xf32>
    %max3A_688 = arith.maximumf %sub3A_685, %max3A_687 : vector<768x256xf32>
    %sqrt3A_689 = math.sqrt %max3A_688 : vector<768x256xf32>
    %lt3A_690 = arith.cmpf olt, %sqrt3A_689, %select_n3A_670 : vector<768x256xf32>
    %jit3A_691 = arith.constant 2.800000e+01 : f32
    %broadcast_in_dim3A_692 = vector.broadcast %jit3A_691 : f32 to vector<768x256xf32>
    %select_n3A_693 = arith.select %lt3A_690, %broadcast_in_dim3A_692, %select_n3A_669 : vector<768x256xi1>, vector<768x256xf32>
    %select_n3A_694 = arith.select %lt3A_690, %sqrt3A_689, %select_n3A_670 : vector<768x256xi1>, vector<768x256xf32>
    %get3A_695 = arith.constant 0 : index
    %get3A_696 = arith.constant 7424 : index
    %get3A_697 = vector.load %arg2[%get3A_695, %get3A_696] : memref<256x8192xf32, #tpu.memory_space<vmem>>, vector<256x256xf32>
    %dot_general3A_698 = arith.constant dense<0.000000e+00> : vector<768x256xf32>
    %dot_general3A_699 = tpu.matmul %get3A_1, %get3A_697, %dot_general3A_698 {dimension_numbers = #tpu.dot_dimension_numbers<[1], [0], [0], [1], [0, 0, 1, 1], [], []>, transpose_lhs_hint = false} : vector<768x256xf32>, vector<256x256xf32>, vector<768x256xf32> -> vector<768x256xf32>
    %get3A_700 = arith.constant 0 : index
    %get3A_701 = arith.constant 7424 : index
    %get3A_702 = vector.load %arg4[%get3A_700, %get3A_701] : memref<1x8192xf32, #tpu.memory_space<vmem>>, vector<1x256xf32>
    %add3A_703 = vector.broadcast %get3A_4 : vector<768x1xf32> to vector<768x256xf32>
    %add3A_704 = vector.broadcast %get3A_702 : vector<1x256xf32> to vector<768x256xf32>
    %add3A_705 = arith.addf %add3A_703, %add3A_704 : vector<768x256xf32>
    %mul3A_706 = arith.constant 2.000000e+00 : f32
    %mul3A_707 = vector.broadcast %mul3A_706 : f32 to vector<768x256xf32>
    %mul3A_708 = arith.mulf %mul3A_707, %dot_general3A_699 : vector<768x256xf32>
    %sub3A_709 = arith.subf %add3A_705, %mul3A_708 : vector<768x256xf32>
    %max3A_710 = arith.constant 0.000000e+00 : f32
    %max3A_711 = vector.broadcast %max3A_710 : f32 to vector<768x256xf32>
    %max3A_712 = arith.maximumf %sub3A_709, %max3A_711 : vector<768x256xf32>
    %sqrt3A_713 = math.sqrt %max3A_712 : vector<768x256xf32>
    %lt3A_714 = arith.cmpf olt, %sqrt3A_713, %select_n3A_694 : vector<768x256xf32>
    %jit3A_715 = arith.constant 2.900000e+01 : f32
    %broadcast_in_dim3A_716 = vector.broadcast %jit3A_715 : f32 to vector<768x256xf32>
    %select_n3A_717 = arith.select %lt3A_714, %broadcast_in_dim3A_716, %select_n3A_693 : vector<768x256xi1>, vector<768x256xf32>
    %select_n3A_718 = arith.select %lt3A_714, %sqrt3A_713, %select_n3A_694 : vector<768x256xi1>, vector<768x256xf32>
    %get3A_719 = arith.constant 0 : index
    %get3A_720 = arith.constant 7680 : index
    %get3A_721 = vector.load %arg2[%get3A_719, %get3A_720] : memref<256x8192xf32, #tpu.memory_space<vmem>>, vector<256x256xf32>
    %dot_general3A_722 = arith.constant dense<0.000000e+00> : vector<768x256xf32>
    %dot_general3A_723 = tpu.matmul %get3A_1, %get3A_721, %dot_general3A_722 {dimension_numbers = #tpu.dot_dimension_numbers<[1], [0], [0], [1], [0, 0, 1, 1], [], []>, transpose_lhs_hint = false} : vector<768x256xf32>, vector<256x256xf32>, vector<768x256xf32> -> vector<768x256xf32>
    %get3A_724 = arith.constant 0 : index
    %get3A_725 = arith.constant 7680 : index
    %get3A_726 = vector.load %arg4[%get3A_724, %get3A_725] : memref<1x8192xf32, #tpu.memory_space<vmem>>, vector<1x256xf32>
    %add3A_727 = vector.broadcast %get3A_4 : vector<768x1xf32> to vector<768x256xf32>
    %add3A_728 = vector.broadcast %get3A_726 : vector<1x256xf32> to vector<768x256xf32>
    %add3A_729 = arith.addf %add3A_727, %add3A_728 : vector<768x256xf32>
    %mul3A_730 = arith.constant 2.000000e+00 : f32
    %mul3A_731 = vector.broadcast %mul3A_730 : f32 to vector<768x256xf32>
    %mul3A_732 = arith.mulf %mul3A_731, %dot_general3A_723 : vector<768x256xf32>
    %sub3A_733 = arith.subf %add3A_729, %mul3A_732 : vector<768x256xf32>
    %max3A_734 = arith.constant 0.000000e+00 : f32
    %max3A_735 = vector.broadcast %max3A_734 : f32 to vector<768x256xf32>
    %max3A_736 = arith.maximumf %sub3A_733, %max3A_735 : vector<768x256xf32>
    %sqrt3A_737 = math.sqrt %max3A_736 : vector<768x256xf32>
    %lt3A_738 = arith.cmpf olt, %sqrt3A_737, %select_n3A_718 : vector<768x256xf32>
    %jit3A_739 = arith.constant 3.000000e+01 : f32
    %broadcast_in_dim3A_740 = vector.broadcast %jit3A_739 : f32 to vector<768x256xf32>
    %select_n3A_741 = arith.select %lt3A_738, %broadcast_in_dim3A_740, %select_n3A_717 : vector<768x256xi1>, vector<768x256xf32>
    %select_n3A_742 = arith.select %lt3A_738, %sqrt3A_737, %select_n3A_718 : vector<768x256xi1>, vector<768x256xf32>
    %get3A_743 = arith.constant 0 : index
    %get3A_744 = arith.constant 7936 : index
    %get3A_745 = vector.load %arg2[%get3A_743, %get3A_744] : memref<256x8192xf32, #tpu.memory_space<vmem>>, vector<256x256xf32>
    %dot_general3A_746 = arith.constant dense<0.000000e+00> : vector<768x256xf32>
    %dot_general3A_747 = tpu.matmul %get3A_1, %get3A_745, %dot_general3A_746 {dimension_numbers = #tpu.dot_dimension_numbers<[1], [0], [0], [1], [0, 0, 1, 1], [], []>, transpose_lhs_hint = false} : vector<768x256xf32>, vector<256x256xf32>, vector<768x256xf32> -> vector<768x256xf32>
    %get3A_748 = arith.constant 0 : index
    %get3A_749 = arith.constant 7936 : index
    %get3A_750 = vector.load %arg4[%get3A_748, %get3A_749] : memref<1x8192xf32, #tpu.memory_space<vmem>>, vector<1x256xf32>
    %add3A_751 = vector.broadcast %get3A_4 : vector<768x1xf32> to vector<768x256xf32>
    %add3A_752 = vector.broadcast %get3A_750 : vector<1x256xf32> to vector<768x256xf32>
    %add3A_753 = arith.addf %add3A_751, %add3A_752 : vector<768x256xf32>
    %mul3A_754 = arith.constant 2.000000e+00 : f32
    %mul3A_755 = vector.broadcast %mul3A_754 : f32 to vector<768x256xf32>
    %mul3A_756 = arith.mulf %mul3A_755, %dot_general3A_747 : vector<768x256xf32>
    %sub3A_757 = arith.subf %add3A_753, %mul3A_756 : vector<768x256xf32>
    %max3A_758 = arith.constant 0.000000e+00 : f32
    %max3A_759 = vector.broadcast %max3A_758 : f32 to vector<768x256xf32>
    %max3A_760 = arith.maximumf %sub3A_757, %max3A_759 : vector<768x256xf32>
    %sqrt3A_761 = math.sqrt %max3A_760 : vector<768x256xf32>
    %lt3A_762 = arith.cmpf olt, %sqrt3A_761, %select_n3A_742 : vector<768x256xf32>
    %jit3A_763 = arith.constant 3.100000e+01 : f32
    %broadcast_in_dim3A_764 = vector.broadcast %jit3A_763 : f32 to vector<768x256xf32>
    %select_n3A_765 = arith.select %lt3A_762, %broadcast_in_dim3A_764, %select_n3A_741 : vector<768x256xi1>, vector<768x256xf32>
    %select_n3A_766 = arith.select %lt3A_762, %sqrt3A_761, %select_n3A_742 : vector<768x256xi1>, vector<768x256xf32>
    %iota3A = tpu.iota {dimensions = array<i32: 1>} : vector<768x256xi32>
    %convert_element_type3A = arith.sitofp %iota3A : vector<768x256xi32> to vector<768x256xf32>
    %mul3A_767 = arith.constant 2.560000e+02 : f32
    %mul3A_768 = vector.broadcast %mul3A_767 : f32 to vector<768x256xf32>
    %mul3A_769 = arith.mulf %select_n3A_765, %mul3A_768 : vector<768x256xf32>
    %add3A_770 = arith.addf %mul3A_769, %convert_element_type3A : vector<768x256xf32>
    %reduce_min3A = arith.constant dense<0x7F800000> : vector<768xf32>
    %reduce_min3A_771 = vector.multi_reduction <minimumf>, %select_n3A_766, %reduce_min3A [1] : vector<768x256xf32> to vector<768xf32>
    %broadcast_in_dim3A_772 = vector.shape_cast %reduce_min3A_771 : vector<768xf32> to vector<768x1xf32>
    %eq3A = vector.broadcast %broadcast_in_dim3A_772 : vector<768x1xf32> to vector<768x256xf32>
    %eq3A_773 = arith.cmpf oeq, %select_n3A_766, %eq3A : vector<768x256xf32>
    %jit3A_774 = arith.constant 1.638400e+04 : f32
    %broadcast_in_dim3A_775 = vector.broadcast %jit3A_774 : f32 to vector<768x256xf32>
    %select_n3A_776 = arith.select %eq3A_773, %add3A_770, %broadcast_in_dim3A_775 : vector<768x256xi1>, vector<768x256xf32>
    %reduce_min3A_777 = arith.constant dense<0x7F800000> : vector<768xf32>
    %reduce_min3A_778 = vector.multi_reduction <minimumf>, %select_n3A_776, %reduce_min3A_777 [1] : vector<768x256xf32> to vector<768xf32>
    %convert_element_type3A_779 = arith.fptosi %reduce_min3A_778 : vector<768xf32> to vector<768xi32>
    %swap3A = arith.constant 0 : index
    %swap3A_780 = arith.constant 0 : index
    %swap3A_781 = arith.constant 0 : index
    %swap3A_782 = vector.load %arg5[%swap3A, %swap3A_780, %swap3A_781] : memref<1x1x768xi32, #tpu.memory_space<vmem>>, vector<1x1x768xi32>
    %swap3A_783 = vector.shape_cast %swap3A_782 : vector<1x1x768xi32> to vector<768xi32>
    %swap3A_784 = vector.shape_cast %convert_element_type3A_779 : vector<768xi32> to vector<1x1x768xi32>
    tpu.vector_store %arg5[%swap3A, %swap3A_780, %swap3A_781], %swap3A_784 {strides = array<i32>} : memref<1x1x768xi32, #tpu.memory_space<vmem>>, vector<1x1x768xi32>,
    return
  }
  func.func @transform_0(%arg0: i32) -> (i32, i32) {
    %c0_i32 = arith.constant 0 : i32
    %c0_i32_0 = arith.constant 0 : i32
    return %arg0, %c0_i32 : i32, i32
  }
  func.func @transform_1(%arg0: i32) -> (i32, i32) {
    %c0_i32 = arith.constant 0 : i32
    %c0_i32_0 = arith.constant 0 : i32
    %c0_i32_1 = arith.constant 0 : i32
    return %c0_i32, %c0_i32_0 : i32, i32
  }
  func.func @transform_2(%arg0: i32) -> (i32, i32) {
    %c0_i32 = arith.constant 0 : i32
    %c0_i32_0 = arith.constant 0 : i32
    return %arg0, %c0_i32 : i32, i32
  }
  func.func @transform_3(%arg0: i32) -> (i32, i32) {
    %c0_i32 = arith.constant 0 : i32
    %c0_i32_0 = arith.constant 0 : i32
    %c0_i32_1 = arith.constant 0 : i32
    return %c0_i32, %c0_i32_0 : i32, i32
  }
  func.func @transform_4(%arg0: i32) -> (i32, i32, i32) {
    %c0_i32 = arith.constant 0 : i32
    %c0_i32_0 = arith.constant 0 : i32
    %c0_i32_1 = arith.constant 0 : i32
    return %arg0, %c0_i32, %c0_i32_0 : i32, i32, i32
  }
}

</mosaic_0001>

<sc_bundles>
// kernel: kernel.4.cloned.1.call-start
scs
__scs_entry_jumppad:
0x0: {  	(pc) =	sbr.rel $0x88, $3  }
0x1: {  	(tag) =	ssettag $0x0;
	lr =	simm.s32 $0x1  }
0x2: {  	[smem:$0x3F9F] =	sst lr;
	_ =	strace $0xD0000000  }
0x3: {  	_ = 	snop  }
0x4: {  	_ = 	snop  }
0x5: {  	_ = 	snop  }
0x6: {  	_ = 	snop  }
0x7: {  	_ = 	snop  }
__scs_overlays_trampoline_lowered:
0x8: {  	[smem:$0x3FAE] =	sst s0  }
0x9: {  	[smem:$0x3FAF] =	sst s1  }
0xa: {  	[smem:$0x3FB0] =	sst s2  }
0xb: {  	[smem:$0x3FB1] =	sst s3  }
0xc: {  	[smem:$0x3FB2] =	sst s4  }
0xd: {  	[smem:$0x3FB3] =	sst s5  }
0xe: {  	[smem:$0x3FB4] =	sst s6  }
0xf: {  	[smem:$0x3FB5] =	sst s7  }
0x10: {  	[smem:$0x3FB6] =	sst s8  }
0x11: {  	[smem:$0x3FB7] =	sst s9;
	s0 =	simm.s32 @!p0 $0x0  }
0x12: {  	s1 =	sld [smem:$0x3F9D];
	s0 =	simm.s32 @p0 $0x1  }
0x13: {  	[smem:$0x3FB8] =	sst s0;
	s0 =	simm.s32 @!p1 $0x0  }
0x14: {  	s2 =	sld [smem:$0x3F9C];
	s0 =	simm.s32 @p1 $0x1  }
0x15: {  	[smem:$0x3FB9] =	sst s0;
	s0 =	simm.s32 @!p2 $0x0  }
0x16: {  	s3 =	sld [smem:$0x3FDB];
	s0 =	simm.s32 @p2 $0x1  }
0x17: {  	s4 =	simm.s32 $0x1BF5;
	[smem:$0x3FBB] =	sst s0  }
0x18: {  	s0 =	sld [smem:$0x3F9E];
	_ =	swait.ge [sflag:s4], $0x0  }
0x19: {  	s7 =	sld [smem:$0x3F9F]  }
0x1a: {  	s8 =	sadd.s32 $0xFFFFE003, lr  }
0x1b: {  	s9 =	sadd.s32 $0xFFFFFEF7, lr;
	s5 =	simm.s32 $0xFFFFFFFF;
	p2 =	slt.u32 s8, $0xFFFFF086  }
0x1c: {  	p1 =	slt.u32 s9, $0xF7A;
	s5 =	simm.s32 @!p2 $0x0  }
0x1d: {  	s5 =	simm.s32 @p1 $0x1;
	p0 =	seq.s32 s7, s2  }
0x1e: {  	s7 =	smul.u32 @!p0 $0xF7A, s2;
	p2 =	seq.s32 @!p0 s5, $0x0  }
0x1f: {  	s9 =	smul.u32 $0xF7A, s1;
	s8 =	simm.s32 @!p0 $0x1BF5;
	p2 =	por !p2, p0  }
0x20: {  	[sflag:s8] =	ssyncset.s32 @!p0 $0xFFFFF086;
	s6 =	sadd.s32 @!p0 s3, s7;
	s7 =	simm.s32 @!p0 $0x108  }
0x21: {  	s3 =	sadd.s32 s3, s9;
	s6 =	sadd.s32 @!p0 $0x88, s6;
	s7 =	simm.s32 @p2 $0x1082  }
0x22: {  	[simem:s7], [sflag:s8] =	dma.local @!p0 [hbm:s6], $0xF7A  }
0x23: {  	s9 =	sor.u32 $0xD0000000, s2;
	s6 =	simm.s32 $0x108;
	_ =	swait.ge @!p0 [sflag:s8], $0x0  }
0x24: {  	s3 =	sadd.s32 $0x88, s3;
	s6 =	simm.s32 @!p1 $0x1082;
	[sflag:s4] =	ssyncset.s32 $0xFFFFF086  }
0x25: {  	[simem:s6], [sflag:s4] =	dma.local [hbm:s3], $0xF7A  }
0x26: {  	[smem:$0x3F9F] =	sst s1;
	(tag) =	ssettag s2;
	_ =	strace s9  }
0x27: {  	s1 =	sld [smem:$0x3FAF]  }
0x28: {  	s2 =	sld [smem:$0x3FB0]  }
0x29: {  	s4 =	sld [smem:$0x3FB2]  }
0x2a: {  	p0 =	seq.s32 s5, $0x0;
	s5 =	sld [smem:$0x3FB3]  }
0x2b: {  	s6 =	sld [smem:$0x3FB4]  }
0x2c: {  	s7 =	sld [smem:$0x3FB5]  }
0x2d: {  	s3 =	simm.s32 $0x108;
	s8 =	sld [smem:$0x3FB6]  }
0x2e: {  	s3 =	simm.s32 @!p0 $0x1082;
	s9 =	sld [smem:$0x3FB7]  }
0x2f: {  	lr =	sadd.s32 s0, s3;
	s0 =	sld [smem:$0x3FAE]  }
0x30: {  	s3 =	sld [smem:$0x3FB1]  }
0x31: {  	[smem:$0x3FBA] =	sst s10  }
0x32: {  	s10 =	sld [smem:$0x3FB8];
	_ =	sdelay $0x3  }
0x33: {  	p0 =	seq.s32 s10, $0x1;
	s10 =	sld [smem:$0x3FBA];
	_ =	sdelay $0x3  }
0x34: {  	[smem:$0x3FBA] =	sst s10  }
0x35: {  	s10 =	sld [smem:$0x3FB9];
	_ =	sdelay $0x3  }
0x36: {  	p1 =	seq.s32 s10, $0x1;
	s10 =	sld [smem:$0x3FBA];
	_ =	sdelay $0x3  }
0x37: {  	[smem:$0x3FBA] =	sst s10  }
0x38: {  	s10 =	sld [smem:$0x3FBB]  }
0x39: {  	_ = 	snop;
	(pc) =	sbr.ind lr, $3  }
0x3a: {  	_ = 	snop  }
0x3b: {  	_ = 	snop  }
0x3c: {  	p2 =	seq.s32 s10, $0x1;
	s10 =	sld [smem:$0x3FBA]  }
0x3d: {  	_ =	shalt  }
0x3e: {  	_ =	shalt  }
0x3f: {  	_ =	shalt  }
0x40: {  	_ =	shalt  }
0x41: {  	_ =	shalt  }
0x42: {  	_ =	shalt  }
0x43: {  	_ =	shalt  }
0x44: {  	_ =	shalt  }
0x45: {  	_ =	shalt  }
0x46: {  	_ =	shalt  }
0x47: {  	_ =	shalt  }
0x48: {  	_ =	shalt  }
0x49: {  	_ =	shalt  }
0x4a: {  	_ =	shalt  }
0x4b: {  	_ =	shalt  }
0x4c: {  	_ =	shalt  }
0x4d: {  	_ =	shalt  }
0x4e: {  	_ =	shalt  }
0x4f: {  	_ =	shalt  }
0x50: {  	_ =	shalt  }
0x51: {  	_ =	shalt  }
0x52: {  	_ =	shalt  }
0x53: {  	_ =	shalt  }
0x54: {  	_ =	shalt  }
0x55: {  	_ =	shalt  }
0x56: {  	_ =	shalt  }
0x57: {  	_ =	shalt  }
0x58: {  	_ =	shalt  }
0x59: {  	_ =	shalt  }
0x5a: {  	_ =	shalt  }
0x5b: {  	_ =	shalt  }
0x5c: {  	_ =	shalt  }
0x5d: {  	_ =	shalt  }
0x5e: {  	_ =	shalt  }
0x5f: {  	_ =	shalt  }
0x60: {  	_ =	shalt  }
0x61: {  	_ =	shalt  }
0x62: {  	_ =	shalt  }
0x63: {  	_ =	shalt  }
0x64: {  	_ =	shalt  }
0x65: {  	_ =	shalt  }
0x66: {  	_ =	shalt  }
0x67: {  	_ =	shalt  }
0x68: {  	_ =	shalt  }
0x69: {  	_ =	shalt  }
0x6a: {  	_ =	shalt  }
0x6b: {  	_ =	shalt  }
0x6c: {  	_ =	shalt  }
0x6d: {  	_ =	shalt  }
0x6e: {  	_ =	shalt  }
0x6f: {  	_ =	shalt  }
0x70: {  	_ =	shalt  }
0x71: {  	_ =	shalt  }
0x72: {  	_ =	shalt  }
0x73: {  	_ =	shalt  }
0x74: {  	_ =	shalt  }
0x75: {  	_ =	shalt  }
0x76: {  	_ =	shalt  }
0x77: {  	_ =	shalt  }
0x78: {  	_ =	shalt  }
0x79: {  	_ =	shalt  }
0x7a: {  	_ =	shalt  }
0x7b: {  	_ =	shalt  }
0x7c: {  	_ =	shalt  }
0x7d: {  	_ =	shalt  }
0x7e: {  	_ =	shalt  }
0x7f: {  	_ =	shalt  }
0x80: {  	_ =	shalt  }
0x81: {  	_ =	shalt  }
0x82: {  	_ =	shalt  }
0x83: {  	_ =	shalt  }
0x84: {  	_ =	shalt  }
0x85: {  	_ =	shalt  }
0x86: {  	_ =	shalt  }
0x87: {  	_ =	shalt  }
.Lfunc_end0:
.L_simem_size_0:
called_computation_lowered:
.L_overlay_start_0:
0x88: {  	s2 =	sld [smem:$0x3FD9]  }
0x89: {  	s3 =	sld [smem:$0x3FFE];
	_ =	sdelay $0x1  }
0x8a: {  	s1 =	srdreg.scid  }
0x8b: {  	s0 =	sand.u32 $0x1, s1  }
0x8c: {  	s14 =	sshll.u32 s0, $0xA;
	s2 =	sadd.s32 s3, s2  }
0x8d: {  	s2 =	sadd.s32 s2, s14  }
0x8e: {  	[smem:$0x3FC6] =	sst s2  }
0x8f: {  	_ = 	snop  }
0x90: {  	s2 =	sld [smem:$0x3FD0];
	_ =	sdelay $0x2  }
0x91: {  	s4 =	simm.s32 $0xA;
	s5 =	simm.s32 $0x10;
	s15 =	sld [smem:$0x3FC8]  }
0x92: {  	[smem:s5], [sflag:s4] =	dma.local [hbm:s2], $0x1  }
0x93: {  	_ =	swait.eq [sflag:s4], $0x1  }
0x94: {  	[sflag:s4] =	ssyncset.done $0x0  }
0x95: {  	[sflag:s4] =	ssyncadd.s32 $0xFFFFFFFF  }
0x96: {  	s16 =	sld [smem:$0x10];
	(tm) =	ssettm $0x1  }
0x97: {  	s17 =	sld [smem:$0x3FFB];
	_ =	sdelay $0x3  }
0x98: {  	_ =	strace s17  }
0x99: {  	s4 =	sld [smem:$0x3FFC];
	_ =	sdelay $0x3  }
0x9a: {  	_ =	strace s4  }
0x9b: {  	s4 =	sld [smem:$0x3FFD];
	_ =	sdelay $0x3  }
0x9c: {  	_ =	strace s4  }
0x9d: {  	_ =	strace $0x8FFFFFFF  }
0x9e: {  	s18 =	sld [smem:$0x3FDB];
	_ =	sdelay $0x1  }
0x9f: {  	s19 =	simm.s32 $_scs_section_size  }
0xa0: {  	s6 =	simm.s32 $_size__tile_overlayer_lowered;
	s7 =	simm.s32 $_tile_overlayer_lowered  }
0xa1: {  	s22 =	simm.s32 $0x1BFF;
	s21 =	sshll.u32 s7, $0x1;
	s4 =	sadd.s32 s19, s18  }
0xa2: {  	s8 =	simm.s32 $0x0;
	s20 =	sshll.u32 s6, $0x1;
	s6 =	sadd.s32 s21, s4  }
0xa3: {  	[timem:s8], [sflag:s22] =	dma.local [hbm:s6], s20  }
0xa4: {  	_ =	swait.ge [sflag:s22], s20  }
0xa5: {  	s5 =	ssub.s32 $0x0, s20;
	[sflag:s22] =	ssyncset.done $0x0  }
0xa6: {  	[sflag:s22] =	ssyncadd.s32 s5;
	_ =	sdelay $0x1  }
0xa7: {  	s23 =	simm.s32 $0x1B8B  }
0xa8: {  	_ =	swait.ge [sflag:s23], $0x1  }
0xa9: {  	[sflag:s23] =	ssyncset.done $0x0  }
0xaa: {  	s25 =	simm.s32 $0x1B8E;
	s24 =	sld [smem:$0x3FFE];
	[sflag:s23] =	ssyncadd.s32 $0xFFFFFFFF  }
0xab: {  	s26 =	simm.s32 $execute0_lowered;
	[smem:$0x3FD2] =	sst s25  }
0xac: {  	s6 =	sshll.u32 s26, $0x1;
	_ =	strace $0x80000046;
	[dreg:$0x1] =	wrdreg $0xFFFFFFFF  }
0xad: {  	s28 =	simm.s32 $_size_execute0_lowered;
	s4 =	sadd.s32 s4, s6;
	[dreg:$0x0] =	wrdreg $0x0  }
0xae: {  	s6 =	sshll.u32 s28, $0x1;
	[dreg:$0x2] =	wrdreg s4  }
0xaf: {  	[dreg:$0x3] =	wrdreg s6  }
0xb0: {  	[dreg:$0x4] =	wrdreg $0xC0  }
0xb1: {  	_ =	task [dreg:s8], $0x5FFFF  }
0xb2: {  	[dreg:$0x1] =	wrdreg $0xFFFFFFFF  }
0xb3: {  	[dreg:$0x0] =	wrdreg $0x60  }
0xb4: {  	[dreg:$0x2] =	wrdreg s15  }
0xb5: {  	[dreg:$0x3] =	wrdreg s24  }
0xb6: {  	[dreg:$0x4] =	wrdreg s16  }
0xb7: {  	[dreg:$0x5] =	wrdreg $0x9  }
0xb8: {  	_ =	task.clear_ibuf [dreg:s8], $0x6FFFF;
	_ =	strace $0x90000046  }
0xb9: {  	s29 =	simm.s32 $0x9;
	_ =	strace $0x80000048  }
0xba: {  	_ =	swait.ge [sflag:s29], $0x1  }
0xbb: {  	[sflag:s29] =	ssyncadd.s32 $0xFFFFFFFF  }
0xbc: {  	_ =	strace $0x90000048  }
0xbd: {  	_ =	sfence  }
0xbe: {  	s30 =	sld [smem:$0x0];
	_ =	sdelay $0x2  }
0xbf: {  	s31 =	sshll.u32 s1, $0xD;
	s1 =	sshrl.u32 s1, $0x2  }
0xc0: {  	s3 =	sand.u32 $0x4000, s31;
	s1 =	sadd.s32 s1, s30  }
0xc1: {  	s0 =	sor.u32 s3, s0;
	s1 =	sshll.u32 s1, $0x11  }
0xc2: {  	s0 =	sor.u32 s1, s0  }
0xc3: {  	s0 =	sadd.s32 $0x8F2B, s0  }
0xc4: {  	[sflag:s0] =	ssyncadd.remote.s32 $0x1  }
0xc5: {  	_ =	sfence.sel $0xFFFF  }
0xc6: {  	[dreg:$0x0] =	wrdreg $0xFFFFFFFF;
	(pc) =	sbr.abs _section_cstart, $3  }
0xc7: {  	[dreg:$0x1] =	wrdreg $0xFFFFFFFF  }
0xc8: {  	_ =	task.clear_ibuf [dreg:s8], $0x2FFFF;
	_ =	strace $0x9FFFFFFF  }
0xc9: {  	(tm) =	ssettm $0x7FFFFFFF  }
tec
execute0_lowered:
.L_overlay_start_1:
0x0: {  	(tag) =	ssettag $0x1  }
0x1: {  	s2 =	srdreg.scid;
	s1 =	rddreg [dreg:$0x0]  }
0x2: {  	s0 =	stileid.u32;
	s4 =	rddreg [dreg:$0x1]  }
0x3: {  	s6 =	rddreg [dreg:$0x2];
	s15 =	simm.s32 $0x980;
	s16 =	simm.s32 $0x1180  }
0x4: {  	s17 =	simm.s32 $0x1980;
	s2 =	sand.u32 $0x1, s2;
	s3 =	sshll.u32 s0, $0x1  }
0x5: {  	s18 =	simm.s32 $0x2180;
	s5 =	sor.u32 s2, s3;
	s3 =	simm.s32 $0x0  }
0x6: {  	s19 =	simm.s32 $0x2980;
	s20 =	simm.s32 $0x3180;
	[smem:$0x7FF] =	sst s3  }
0x7: {  	s21 =	simm.s32 $0x3980;
	_ =	strace $0x80000047;
	[dreg:$0x6] =	wrdreg s15  }
0x8: {  	s23 =	simm.s32 $0x4180;
	s24 =	simm.s32 $0x4980;
	[dreg:$0x7] =	wrdreg s16  }
0x9: {  	s25 =	simm.s32 $0x5180;
	s26 =	simm.s32 $0x5980;
	[dreg:$0x8] =	wrdreg s17  }
0xa: {  	s8 =	simm.s32 $0x6980;
	s9 =	simm.s32 $0x7180;
	[dreg:$0x9] =	wrdreg s18  }
0xb: {  	s10 =	simm.s32 $0x7980;
	s11 =	simm.s32 $0x8180;
	[dreg:$0xa] =	wrdreg s19  }
0xc: {  	s12 =	simm.s32 $0x8980;
	s13 =	simm.s32 $0x9180;
	[dreg:$0xb] =	wrdreg s20  }
0xd: {  	s28 =	simm.s32 $0x10180;
	s29 =	simm.s32 $0x10980;
	[dreg:$0xc] =	wrdreg s21  }
0xe: {  	s30 =	simm.s32 $0x11180;
	s31 =	simm.s32 $0x11980;
	[dreg:$0xd] =	wrdreg s23  }
0xf: {  	s2 =	ssub.s32 $0x2, s2;
	s7 =	smul.u32 $0x24, s5;
	[dreg:$0xe] =	wrdreg s24  }
0x10: {  	s5 =	smul.u32 $0x2400, s5;
	s22 =	sshrl.u32 s2, $0x1;
	[dreg:$0xf] =	wrdreg s25  }
0x11: {  	s2 =	ssub.s32 s2, s22;
	[dreg:$0x10] =	wrdreg s26;
	s15 =	simm.s32 $0xA180  }
0x12: {  	s16 =	simm.s32 $0xA980;
	s17 =	simm.s32 $0xB180;
	s18 =	simm.s32 $0xB980  }
0x13: {  	s19 =	simm.s32 $0xC180;
	s20 =	simm.s32 $0xC980;
	s21 =	simm.s32 $0xD180  }
0x14: {  	s22 =	simm.s32 $0xD980;
	s23 =	simm.s32 $0xE180;
	s24 =	simm.s32 $0xE980  }
0x15: {  	s25 =	simm.s32 $0xF180;
	s26 =	simm.s32 $0xF980;
	s4 =	sadd.s32 s7, s4  }
0x16: {  	v2 =	vlaneseq.u32;
	s14 =	sadd.s32 s6, s5;
	s5 =	simm.s32 $0x2;
	s6 =	simm.s32 $0x180  }
0x17: {  	vm0 =	vmmov $0xffff;
	v1 =	vshrl.u32 v2, $0x3;
	s4 =	sadd.s32 $0x600, s4;
	[dreg:$0x5] =	wrdreg s14;
	s14 =	simm.s32 $0x9980  }
0x18: {  	v0 =	vand.u32 $0x7, v2;
	v2 =	vor.u32 $0x8, v2;
	v1 =	vmul.u32 $0x8, v1;
	[dreg:$0x4] =	wrdreg s4;
	s4 =	smax.u32 s2, $0x1;
	s2 =	simm.s32 $0x1  }
.LBB2_1:
0x19: {  	s0 =	rddreg [dreg:$0x4]  }
0x1a: {  	[tilespmem:s3], [sflag:$0x2] =	stream.linear.gather [hbm4b:s0+s3], $0x120, $0x38;
	[tilespmem:$0x12180] =	vst v63  }
0x1b: {  	_ =	swait.ge [sflag:s5], $0x120  }
0x1c: {  	[sflag:s5] =	ssyncset.done $0x0  }
0x1d: {  	[sflag:s5] =	ssyncadd.s32 $0xFFFFFEE0  }
0x1e: {  	v3 =	vld [tilespmem:$0x0];
	_ =	sdelay $0x4  }
0x1f: {  	v4 =	vshll.u32 v3, $0x1  }
0x20: {  	v3 =	vand.u32 $0x7, v3;
	v4 =	vand.u32 $0xFFFFFFF0, v4  }
0x21: {  	v3 =	vor.u32 v3, v4  }
0x22: {  	v4 =	vperm.xlane v3, v0;
	_ =	sdelay $0x1  }
0x23: {  	v3 =	vperm.xlane v3, v2;
	v4 =	vadd.s32 v1, v4;
	_ =	sdelay $0x1  }
0x24: {  	v3 =	vadd.s32 v1, v3;
	_ =	sdelay $0x2  }
0x25: {  	[tilespmem:s6], [sflag:$0x1] =	stream.indirect_vreg.gather [hbm4b:s1+s3], $0x80, v4, vm0, $0xb8;
	[tilespmem:$0x12180] =	vst v63  }
0x26: {  	s7 =	rddreg [dreg:$0x6]  }
0x27: {  	[tilespmem:s7], [sflag:$0x1] =	stream.indirect_vreg.gather [hbm4b:s1+s3], $0x80, v3, vm0, $0xb8;
	[tilespmem:$0x12180] =	vst v63  }
0x28: {  	v3 =	vld [tilespmem:$0x10];
	_ =	sdelay $0x4  }
0x29: {  	v47 =	vshll.u32 v3, $0x1  }
0x2a: {  	v3 =	vand.u32 $0x7, v3;
	v4 =	vand.u32 $0xFFFFFFF0, v47  }
0x2b: {  	v3 =	vor.u32 v3, v4  }
0x2c: {  	v4 =	vperm.xlane v3, v0;
	_ =	sdelay $0x1  }
0x2d: {  	v3 =	vperm.xlane v3, v2;
	v4 =	vadd.s32 v1, v4;
	_ =	sdelay $0x1  }
0x2e: {  	v3 =	vadd.s32 v1, v3;
	_ =	sdelay $0x1  }
0x2f: {  	s0 =	rddreg [dreg:$0x7]  }
0x30: {  	[tilespmem:s0], [sflag:$0x1] =	stream.indirect_vreg.gather [hbm4b:s1+s3], $0x80, v4, vm0, $0xb8;
	[tilespmem:$0x12180] =	vst v63  }
0x31: {  	s7 =	rddreg [dreg:$0x8]  }
0x32: {  	[tilespmem:s7], [sflag:$0x1] =	stream.indirect_vreg.gather [hbm4b:s1+s3], $0x80, v3, vm0, $0xb8;
	[tilespmem:$0x12180] =	vst v63  }
0x33: {  	v3 =	vld [tilespmem:$0x20];
	_ =	sdelay $0x4  }
0x34: {  	v48 =	vshll.u32 v3, $0x1  }
0x35: {  	v3 =	vand.u32 $0x7, v3;
	v4 =	vand.u32 $0xFFFFFFF0, v48  }
0x36: {  	v3 =	vor.u32 v3, v4  }
0x37: {  	v4 =	vperm.xlane v3, v0;
	_ =	sdelay $0x1  }
0x38: {  	v3 =	vperm.xlane v3, v2;
	v4 =	vadd.s32 v1, v4;
	_ =	sdelay $0x1  }
0x39: {  	v3 =	vadd.s32 v1, v3;
	_ =	sdelay $0x1  }
0x3a: {  	s0 =	rddreg [dreg:$0x9]  }
0x3b: {  	[tilespmem:s0], [sflag:$0x1] =	stream.indirect_vreg.gather [hbm4b:s1+s3], $0x80, v4, vm0, $0xb8;
	[tilespmem:$0x12180] =	vst v63  }
0x3c: {  	s7 =	rddreg [dreg:$0xa]  }
0x3d: {  	[tilespmem:s7], [sflag:$0x1] =	stream.indirect_vreg.gather [hbm4b:s1+s3], $0x80, v3, vm0, $0xb8;
	[tilespmem:$0x12180] =	vst v63  }
0x3e: {  	v3 =	vld [tilespmem:$0x30];
	_ =	sdelay $0x4  }
0x3f: {  	v49 =	vshll.u32 v3, $0x1  }
0x40: {  	v3 =	vand.u32 $0x7, v3;
	v4 =	vand.u32 $0xFFFFFFF0, v49  }
0x41: {  	v3 =	vor.u32 v3, v4  }
0x42: {  	v4 =	vperm.xlane v3, v0;
	_ =	sdelay $0x1  }
0x43: {  	v3 =	vperm.xlane v3, v2;
	v4 =	vadd.s32 v1, v4;
	_ =	sdelay $0x1  }
0x44: {  	v3 =	vadd.s32 v1, v3;
	_ =	sdelay $0x1  }
0x45: {  	s0 =	rddreg [dreg:$0xb]  }
0x46: {  	[tilespmem:s0], [sflag:$0x1] =	stream.indirect_vreg.gather [hbm4b:s1+s3], $0x80, v4, vm0, $0xb8;
	[tilespmem:$0x12180] =	vst v63  }
0x47: {  	s7 =	rddreg [dreg:$0xc]  }
0x48: {  	[tilespmem:s7], [sflag:$0x1] =	stream.indirect_vreg.gather [hbm4b:s1+s3], $0x80, v3, vm0, $0xb8;
	[tilespmem:$0x12180] =	vst v63  }
0x49: {  	v3 =	vld [tilespmem:$0x40];
	_ =	sdelay $0x4  }
0x4a: {  	v50 =	vshll.u32 v3, $0x1  }
0x4b: {  	v3 =	vand.u32 $0x7, v3;
	v4 =	vand.u32 $0xFFFFFFF0, v50  }
0x4c: {  	v3 =	vor.u32 v3, v4  }
0x4d: {  	v4 =	vperm.xlane v3, v0;
	_ =	sdelay $0x1  }
0x4e: {  	v3 =	vperm.xlane v3, v2;
	v4 =	vadd.s32 v1, v4;
	_ =	sdelay $0x1  }
0x4f: {  	v3 =	vadd.s32 v1, v3;
	_ =	sdelay $0x1  }
0x50: {  	s0 =	rddreg [dreg:$0xd]  }
0x51: {  	[tilespmem:s0], [sflag:$0x1] =	stream.indirect_vreg.gather [hbm4b:s1+s3], $0x80, v4, vm0, $0xb8;
	[tilespmem:$0x12180] =	vst v63  }
0x52: {  	s7 =	rddreg [dreg:$0xe]  }
0x53: {  	[tilespmem:s7], [sflag:$0x1] =	stream.indirect_vreg.gather [hbm4b:s1+s3], $0x80, v3, vm0, $0xb8;
	[tilespmem:$0x12180] =	vst v63  }
0x54: {  	v3 =	vld [tilespmem:$0x50];
	_ =	sdelay $0x4  }
0x55: {  	v51 =	vshll.u32 v3, $0x1  }
0x56: {  	v3 =	vand.u32 $0x7, v3;
	v4 =	vand.u32 $0xFFFFFFF0, v51  }
0x57: {  	v3 =	vor.u32 v3, v4  }
0x58: {  	v4 =	vperm.xlane v3, v0;
	_ =	sdelay $0x1  }
0x59: {  	v3 =	vperm.xlane v3, v2;
	v4 =	vadd.s32 v1, v4;
	_ =	sdelay $0x1  }
0x5a: {  	v3 =	vadd.s32 v1, v3;
	_ =	sdelay $0x1  }
0x5b: {  	s0 =	rddreg [dreg:$0xf]  }
0x5c: {  	[tilespmem:s0], [sflag:$0x1] =	stream.indirect_vreg.gather [hbm4b:s1+s3], $0x80, v4, vm0, $0xb8;
	[tilespmem:$0x12180] =	vst v63  }
0x5d: {  	s7 =	rddreg [dreg:$0x10]  }
0x5e: {  	[tilespmem:s7], [sflag:$0x1] =	stream.indirect_vreg.gather [hbm4b:s1+s3], $0x80, v3, vm0, $0xb8;
	[tilespmem:$0x12180] =	vst v63  }
0x5f: {  	v3 =	vld [tilespmem:$0x60];
	_ =	sdelay $0x4  }
0x60: {  	v52 =	vshll.u32 v3, $0x1  }
0x61: {  	v3 =	vand.u32 $0x7, v3;
	v4 =	vand.u32 $0xFFFFFFF0, v52  }
0x62: {  	v3 =	vor.u32 v3, v4  }
0x63: {  	v4 =	vperm.xlane v3, v0;
	_ =	sdelay $0x1  }
0x64: {  	v3 =	vperm.xlane v3, v2;
	v4 =	vadd.s32 v1, v4;
	_ =	sdelay $0x1  }
0x65: {  	v3 =	vadd.s32 v1, v3;
	_ =	sdelay $0x1  }
0x66: {  	s7 =	simm.s32 $0x6180  }
0x67: {  	[tilespmem:s7], [sflag:$0x1] =	stream.indirect_vreg.gather [hbm4b:s1+s3], $0x80, v4, vm0, $0xb8;
	[tilespmem:$0x12180] =	vst v63  }
0x68: {  	_ = 	snop  }
0x69: {  	[tilespmem:s8], [sflag:$0x1] =	stream.indirect_vreg.gather [hbm4b:s1+s3], $0x80, v3, vm0, $0xb8;
	[tilespmem:$0x12180] =	vst v63  }
0x6a: {  	v3 =	vld [tilespmem:$0x70];
	_ =	sdelay $0x4  }
0x6b: {  	v53 =	vshll.u32 v3, $0x1  }
0x6c: {  	v3 =	vand.u32 $0x7, v3;
	v4 =	vand.u32 $0xFFFFFFF0, v53  }
0x6d: {  	v3 =	vor.u32 v3, v4  }
0x6e: {  	v4 =	vperm.xlane v3, v0;
	_ =	sdelay $0x1  }
0x6f: {  	v3 =	vperm.xlane v3, v2;
	v4 =	vadd.s32 v1, v4;
	_ =	sdelay $0x1  }
0x70: {  	v3 =	vadd.s32 v1, v3;
	_ =	sdelay $0x2  }
0x71: {  	[tilespmem:s9], [sflag:$0x1] =	stream.indirect_vreg.gather [hbm4b:s1+s3], $0x80, v4, vm0, $0xb8;
	[tilespmem:$0x12180] =	vst v63  }
0x72: {  	_ = 	snop  }
0x73: {  	[tilespmem:s10], [sflag:$0x1] =	stream.indirect_vreg.gather [hbm4b:s1+s3], $0x80, v3, vm0, $0xb8;
	[tilespmem:$0x12180] =	vst v63  }
0x74: {  	v3 =	vld [tilespmem:$0x80];
	_ =	sdelay $0x4  }
0x75: {  	v54 =	vshll.u32 v3, $0x1  }
0x76: {  	v3 =	vand.u32 $0x7, v3;
	v4 =	vand.u32 $0xFFFFFFF0, v54  }
0x77: {  	v3 =	vor.u32 v3, v4  }
0x78: {  	v4 =	vperm.xlane v3, v0;
	_ =	sdelay $0x1  }
0x79: {  	v3 =	vperm.xlane v3, v2;
	v4 =	vadd.s32 v1, v4;
	_ =	sdelay $0x1  }
0x7a: {  	v3 =	vadd.s32 v1, v3;
	_ =	sdelay $0x2  }
0x7b: {  	[tilespmem:s11], [sflag:$0x1] =	stream.indirect_vreg.gather [hbm4b:s1+s3], $0x80, v4, vm0, $0xb8;
	[tilespmem:$0x12180] =	vst v63  }
0x7c: {  	_ = 	snop  }
0x7d: {  	[tilespmem:s12], [sflag:$0x1] =	stream.indirect_vreg.gather [hbm4b:s1+s3], $0x80, v3, vm0, $0xb8;
	[tilespmem:$0x12180] =	vst v63  }
0x7e: {  	v3 =	vld [tilespmem:$0x90];
	_ =	sdelay $0x4  }
0x7f: {  	v55 =	vshll.u32 v3, $0x1  }
0x80: {  	v3 =	vand.u32 $0x7, v3;
	v4 =	vand.u32 $0xFFFFFFF0, v55  }
0x81: {  	v3 =	vor.u32 v3, v4  }
0x82: {  	v4 =	vperm.xlane v3, v0;
	_ =	sdelay $0x1  }
0x83: {  	v3 =	vperm.xlane v3, v2;
	v4 =	vadd.s32 v1, v4;
	_ =	sdelay $0x1  }
0x84: {  	v3 =	vadd.s32 v1, v3;
	_ =	sdelay $0x2  }
0x85: {  	[tilespmem:s13], [sflag:$0x1] =	stream.indirect_vreg.gather [hbm4b:s1+s3], $0x80, v4, vm0, $0xb8;
	[tilespmem:$0x12180] =	vst v63  }
0x86: {  	_ = 	snop  }
0x87: {  	[tilespmem:s14], [sflag:$0x1] =	stream.indirect_vreg.gather [hbm4b:s1+s3], $0x80, v3, vm0, $0xb8;
	[tilespmem:$0x12180] =	vst v63  }
0x88: {  	v3 =	vld [tilespmem:$0xA0];
	_ =	sdelay $0x4  }
0x89: {  	v56 =	vshll.u32 v3, $0x1  }
0x8a: {  	v3 =	vand.u32 $0x7, v3;
	v4 =	vand.u32 $0xFFFFFFF0, v56  }
0x8b: {  	v3 =	vor.u32 v3, v4  }
0x8c: {  	v4 =	vperm.xlane v3, v0;
	_ =	sdelay $0x1  }
0x8d: {  	v3 =	vperm.xlane v3, v2;
	v4 =	vadd.s32 v1, v4;
	_ =	sdelay $0x1  }
0x8e: {  	v3 =	vadd.s32 v1, v3;
	_ =	sdelay $0x2  }
0x8f: {  	[tilespmem:s15], [sflag:$0x1] =	stream.indirect_vreg.gather [hbm4b:s1+s3], $0x80, v4, vm0, $0xb8;
	[tilespmem:$0x12180] =	vst v63  }
0x90: {  	_ = 	snop  }
0x91: {  	[tilespmem:s16], [sflag:$0x1] =	stream.indirect_vreg.gather [hbm4b:s1+s3], $0x80, v3, vm0, $0xb8;
	[tilespmem:$0x12180] =	vst v63  }
0x92: {  	v3 =	vld [tilespmem:$0xB0];
	_ =	sdelay $0x4  }
0x93: {  	v57 =	vshll.u32 v3, $0x1  }
0x94: {  	v3 =	vand.u32 $0x7, v3;
	v4 =	vand.u32 $0xFFFFFFF0, v57  }
0x95: {  	v3 =	vor.u32 v3, v4  }
0x96: {  	v4 =	vperm.xlane v3, v0;
	_ =	sdelay $0x1  }
0x97: {  	v3 =	vperm.xlane v3, v2;
	v4 =	vadd.s32 v1, v4;
	_ =	sdelay $0x1  }
0x98: {  	v3 =	vadd.s32 v1, v3;
	_ =	sdelay $0x2  }
0x99: {  	[tilespmem:s17], [sflag:$0x1] =	stream.indirect_vreg.gather [hbm4b:s1+s3], $0x80, v4, vm0, $0xb8;
	[tilespmem:$0x12180] =	vst v63  }
0x9a: {  	_ = 	snop  }
0x9b: {  	[tilespmem:s18], [sflag:$0x1] =	stream.indirect_vreg.gather [hbm4b:s1+s3], $0x80, v3, vm0, $0xb8;
	[tilespmem:$0x12180] =	vst v63  }
0x9c: {  	v3 =	vld [tilespmem:$0xC0];
	_ =	sdelay $0x4  }
0x9d: {  	v58 =	vshll.u32 v3, $0x1  }
0x9e: {  	v3 =	vand.u32 $0x7, v3;
	v4 =	vand.u32 $0xFFFFFFF0, v58  }
0x9f: {  	v3 =	vor.u32 v3, v4  }
0xa0: {  	v4 =	vperm.xlane v3, v0;
	_ =	sdelay $0x1  }
0xa1: {  	v3 =	vperm.xlane v3, v2;
	v4 =	vadd.s32 v1, v4;
	_ =	sdelay $0x1  }
0xa2: {  	v3 =	vadd.s32 v1, v3;
	_ =	sdelay $0x2  }
0xa3: {  	[tilespmem:s19], [sflag:$0x1] =	stream.indirect_vreg.gather [hbm4b:s1+s3], $0x80, v4, vm0, $0xb8;
	[tilespmem:$0x12180] =	vst v63  }
0xa4: {  	_ = 	snop  }
0xa5: {  	[tilespmem:s20], [sflag:$0x1] =	stream.indirect_vreg.gather [hbm4b:s1+s3], $0x80, v3, vm0, $0xb8;
	[tilespmem:$0x12180] =	vst v63  }
0xa6: {  	v3 =	vld [tilespmem:$0xD0];
	_ =	sdelay $0x4  }
0xa7: {  	v59 =	vshll.u32 v3, $0x1  }
0xa8: {  	v3 =	vand.u32 $0x7, v3;
	v4 =	vand.u32 $0xFFFFFFF0, v59  }
0xa9: {  	v3 =	vor.u32 v3, v4  }
0xaa: {  	v4 =	vperm.xlane v3, v0;
	_ =	sdelay $0x1  }
0xab: {  	v3 =	vperm.xlane v3, v2;
	v4 =	vadd.s32 v1, v4;
	_ =	sdelay $0x1  }
0xac: {  	v3 =	vadd.s32 v1, v3;
	_ =	sdelay $0x2  }
0xad: {  	[tilespmem:s21], [sflag:$0x1] =	stream.indirect_vreg.gather [hbm4b:s1+s3], $0x80, v4, vm0, $0xb8;
	[tilespmem:$0x12180] =	vst v63  }
0xae: {  	_ = 	snop  }
0xaf: {  	[tilespmem:s22], [sflag:$0x1] =	stream.indirect_vreg.gather [hbm4b:s1+s3], $0x80, v3, vm0, $0xb8;
	[tilespmem:$0x12180] =	vst v63  }
0xb0: {  	v3 =	vld [tilespmem:$0xE0];
	_ =	sdelay $0x4  }
0xb1: {  	v60 =	vshll.u32 v3, $0x1  }
0xb2: {  	v3 =	vand.u32 $0x7, v3;
	v4 =	vand.u32 $0xFFFFFFF0, v60  }
0xb3: {  	v3 =	vor.u32 v3, v4  }
0xb4: {  	v4 =	vperm.xlane v3, v0;
	_ =	sdelay $0x1  }
0xb5: {  	v3 =	vperm.xlane v3, v2;
	v4 =	vadd.s32 v1, v4;
	_ =	sdelay $0x1  }
0xb6: {  	v3 =	vadd.s32 v1, v3;
	_ =	sdelay $0x2  }
0xb7: {  	[tilespmem:s23], [sflag:$0x1] =	stream.indirect_vreg.gather [hbm4b:s1+s3], $0x80, v4, vm0, $0xb8;
	[tilespmem:$0x12180] =	vst v63  }
0xb8: {  	_ = 	snop  }
0xb9: {  	[tilespmem:s24], [sflag:$0x1] =	stream.indirect_vreg.gather [hbm4b:s1+s3], $0x80, v3, vm0, $0xb8;
	[tilespmem:$0x12180] =	vst v63  }
0xba: {  	v3 =	vld [tilespmem:$0xF0];
	_ =	sdelay $0x4  }
0xbb: {  	v61 =	vshll.u32 v3, $0x1  }
0xbc: {  	v3 =	vand.u32 $0x7, v3;
	v4 =	vand.u32 $0xFFFFFFF0, v61  }
0xbd: {  	v3 =	vor.u32 v3, v4  }
0xbe: {  	v4 =	vperm.xlane v3, v0;
	_ =	sdelay $0x1  }
0xbf: {  	v3 =	vperm.xlane v3, v2;
	v4 =	vadd.s32 v1, v4;
	_ =	sdelay $0x1  }
0xc0: {  	v3 =	vadd.s32 v1, v3;
	_ =	sdelay $0x2  }
0xc1: {  	[tilespmem:s25], [sflag:$0x1] =	stream.indirect_vreg.gather [hbm4b:s1+s3], $0x80, v4, vm0, $0xb8;
	[tilespmem:$0x12180] =	vst v63  }
0xc2: {  	_ = 	snop  }
0xc3: {  	[tilespmem:s26], [sflag:$0x1] =	stream.indirect_vreg.gather [hbm4b:s1+s3], $0x80, v3, vm0, $0xb8;
	[tilespmem:$0x12180] =	vst v63  }
0xc4: {  	v3 =	vld [tilespmem:$0x100];
	_ =	sdelay $0x4  }
0xc5: {  	v62 =	vshll.u32 v3, $0x1  }
0xc6: {  	v3 =	vand.u32 $0x7, v3;
	v4 =	vand.u32 $0xFFFFFFF0, v62  }
0xc7: {  	v3 =	vor.u32 v3, v4  }
0xc8: {  	v4 =	vperm.xlane v3, v0;
	_ =	sdelay $0x1  }
0xc9: {  	v3 =	vperm.xlane v3, v2;
	v4 =	vadd.s32 v1, v4;
	_ =	sdelay $0x1  }
0xca: {  	v3 =	vadd.s32 v1, v3;
	_ =	sdelay $0x2  }
0xcb: {  	[tilespmem:s28], [sflag:$0x1] =	stream.indirect_vreg.gather [hbm4b:s1+s3], $0x80, v4, vm0, $0xb8;
	[tilespmem:$0x12180] =	vst v63  }
0xcc: {  	_ = 	snop  }
0xcd: {  	[tilespmem:s29], [sflag:$0x1] =	stream.indirect_vreg.gather [hbm4b:s1+s3], $0x80, v3, vm0, $0xb8;
	[tilespmem:$0x12180] =	vst v63  }
0xce: {  	v3 =	vld [tilespmem:$0x110];
	_ =	sdelay $0x4  }
0xcf: {  	v63 =	vshll.u32 v3, $0x1  }
0xd0: {  	v3 =	vand.u32 $0x7, v3;
	v4 =	vand.u32 $0xFFFFFFF0, v63  }
0xd1: {  	v3 =	vor.u32 v3, v4  }
0xd2: {  	v4 =	vperm.xlane v3, v0;
	_ =	sdelay $0x1  }
0xd3: {  	v3 =	vperm.xlane v3, v2;
	v4 =	vadd.s32 v1, v4;
	_ =	sdelay $0x1  }
0xd4: {  	v3 =	vadd.s32 v1, v3;
	_ =	sdelay $0x2  }
0xd5: {  	[tilespmem:s30], [sflag:$0x1] =	stream.indirect_vreg.gather [hbm4b:s1+s3], $0x80, v4, vm0, $0xb8;
	[tilespmem:$0x12180] =	vst v63  }
0xd6: {  	_ = 	snop  }
0xd7: {  	[tilespmem:s31], [sflag:$0x1] =	stream.indirect_vreg.gather [hbm4b:s1+s3], $0x80, v3, vm0, $0xb8;
	[tilespmem:$0x12180] =	vst v63  }
0xd8: {  	_ =	swait.ge [sflag:s2], $0x12000  }
0xd9: {  	p0 =	sne.s32 s4, $0x1;
	[sflag:s2] =	ssyncset.done $0x0  }
.Ltmp0:
0xda: {  	s7 =	rddreg [dreg:$0x5];
	[sflag:s2] =	ssyncadd.s32 $0xFFFEE000;
	(pc) =	sbr.rel @p0 .LBB2_1-.Ltmp0, $4  }
0xdb: {  	[hbm4b:s7+s3] =	stream.linear.scatter [tilespmem:s6], [sflag:$0x2], $0x12000, $0x38;
	[tilespmem:$0x12180] =	vst v63  }
0xdc: {  	_ =	swait.ge [sflag:s5], $0x12000  }
0xdd: {  	[sflag:s5] =	ssyncset.done $0x0  }
0xde: {  	s4 =	sadd.s32 $0xFFFFFFFF, s4;
	[sflag:s5] =	ssyncadd.s32 $0xFFFEE000  }
0xdf: {  	_ =	sfence.sel $0x180000  }
0xe0: {  	[bflag:$0x0] =	sbarrier.arrive $0xFFFF  }
0xe1: {  	_ =	strace $0x90000047  }
0xe2: {  	s0 =	stileid.u32;
	[bflag:$0x2] =	sbarrier.arrive $0xFFFF  }
0xe3: {  	p0 =	sne.s32 s0, $0x0;
	s0 =	rddreg [dreg:$0x3]  }
0xe4: {  	s0 =	sadd.s32 @!p0 $0x100000, s0  }
0xe5: {  	[sflag:s0] =	ssyncadd.tile.s32 @!p0 $0x1;
	_ =	shalt  }
.Lfunc_end2:
_tile_overlayer_lowered:
.L_overlay_start_2:
0xe6: {  	(tag) =	ssettag $0x2  }
0xe7: {  	s0 =	rddreg [dreg:$0x0];
	s2 =	stileid.u32  }
0xe8: {  	s1 =	rddreg [dreg:$0x1];
	p0 =	sne.s32 s2, $0x0  }
0xe9: {  	s3 =	rddreg [dreg:$0x2];
	[bflag:$0x3] =	sbarrier.arrive $0xFFFF;
	s2 =	simm.s32 @!p0 $0x1C02  }
0xea: {  	[timem:s3], [sflag:s2] =	dma.local @!p0 [hbm:s0], s1  }
0xeb: {  	s0 =	simm.s32 @!p0 $0x2  }
0xec: {  	_ =	swait.ge @!p0 [sflag:s0], s1  }
0xed: {  	s1 =	ssub.s32 @!p0 $0x0, s1;
	[sflag:s0] =	ssyncset.done @!p0 $0x0  }
0xee: {  	[sflag:s0] =	ssyncadd.s32 @!p0 s1  }
0xef: {  	[bflag:$0x3] =	sbarrier.arrive $0xFFFF  }
0xf0: {  	_ =	shalt  }

</sc_bundles>
